<compile_context>
chip_gen: v7x
topology: tpu7x:2x2x1
jax: 0.10.2.dev20260603
libtpu: 0.0.44.dev20260713+nightly
codegen_flags: <defaults>
</compile_context>

<pallas_src>
import functools

import jax
import jax.numpy as jnp
from jax import lax
from jax.experimental import pallas as pl
from jax.experimental.pallas import tpu as pltpu
from jax.experimental.pallas import tpu_sc as plsc

N_NODES = 10000
N_EDGES = 320000
D = 128
HEADS = 4
C = 32

NUM_CORES = 2
NUM_TILES = 16
NW = NUM_CORES * NUM_TILES
BLK = 64
E_PER_W = 10048
E_REAL_W = N_EDGES // NW
N_BLKS = E_PER_W // BLK
E_PAD = E_PER_W * NW
N_PAD = 10240
ROWS_PER_TILE = N_PAD // NUM_TILES

_HI_MASK = -65536


def _prep_body(x_ref, w1_ref, w2_ref, o_ref):
    a1 = lax.dot_general(
        x_ref[...], w1_ref[...], (((1,), (0,)), ((), ())),
        preferred_element_type=jnp.float32, precision=lax.Precision.HIGHEST)
    a2 = lax.dot_general(
        x_ref[...], w2_ref[...], (((1,), (0,)), ((), ())),
        preferred_element_type=jnp.float32, precision=lax.Precision.HIGHEST)
    b1 = lax.bitcast_convert_type(a1, jnp.int32)
    b2 = lax.bitcast_convert_type(a2, jnp.int32)
    r1 = (b1 + 0x8000) & _HI_MASK
    r2 = lax.shift_right_logical(b2 + 0x8000, 16)
    o_ref[...] = lax.transpose(r1 | r2, (1, 0))


_tc_prep = pl.pallas_call(
    _prep_body,
    out_shape=jax.ShapeDtypeStruct((HEADS, N_NODES), jnp.int32),
)


def _comb_body(p_ref, o_ref):
    o_ref[...] = p_ref[0, :N_NODES] + p_ref[1, :N_NODES]


_tc_combine = pl.pallas_call(
    _comb_body,
    out_shape=jax.ShapeDtypeStruct((N_NODES, D), jnp.float32),
)


def _sc_body(tab_hbm, sde_hbm, x_hbm, zeros_hbm, out_hbm,
             tab_v, idxew_v, xj_v, betat_v, shared_out, sem_x):
    c = lax.axis_index("c")
    s = lax.axis_index("s")
    tid = c * NUM_TILES + s
    edge0 = tid * E_PER_W

    pltpu.sync_copy(zeros_hbm, shared_out.at[pl.ds(s * ROWS_PER_TILE, ROWS_PER_TILE)])
    pltpu.sync_copy(tab_hbm, tab_v)
    plsc.subcore_barrier()

    def block(i, carry):
        base = edge0 + i * BLK
        pltpu.sync_copy(sde_hbm.at[:, pl.ds(base, BLK)], idxew_v)
        cx = pltpu.async_copy(x_hbm.at[idxew_v.at[1]], xj_v, sem_x)

        for g in range(BLK // 16):
            sl = pl.ds(g * 16, 16)
            s16 = idxew_v[0, sl]
            d16 = idxew_v[1, sl]
            w16 = plsc.bitcast(idxew_v[2, sl], jnp.float32)
            for h in range(HEADS):
                ws = plsc.load_gather(tab_v, [s16 + (h * N_NODES)])
                wd = plsc.load_gather(tab_v, [d16 + (h * N_NODES)])
                a1 = plsc.bitcast(ws & _HI_MASK, jnp.float32)
                a2 = plsc.bitcast(lax.shift_left(wd, 16), jnp.float32)
                beta = w16 / (1.0 + jnp.exp(-(a1 + a2)))
                betat_v[pl.ds(h * BLK + g * 16, 16)] = beta

        cx.wait()

        def edge8(t, carry2):
            e0 = t * 8
            bs = []
            for r in range(8):
                e_idx = jnp.full((16,), r, jnp.int32) + e0
                bs.append([
                    plsc.load_gather(betat_v, [e_idx + (h * BLK)])
                    for h in range(HEADS)
                ])
            for r in range(8):
                e = e0 + r
                for h in range(HEADS):
                    for k in range(C // 16):
                        fsl = pl.ds(h * C + k * 16, 16)
                        xj_v[e, fsl] = xj_v[e, fsl] * bs[r][h]
            return carry2

        lax.fori_loop(0, BLK // 8, edge8, 0)

        pltpu.sync_copy(xj_v, shared_out.at[idxew_v.at[0]], add=True)
        return carry

    lax.fori_loop(0, N_BLKS, block, 0)
    plsc.subcore_barrier()

    rsl = pl.ds(s * ROWS_PER_TILE, ROWS_PER_TILE)
    pltpu.sync_copy(shared_out.at[rsl], out_hbm.at[c, rsl])


_sc_main = functools.partial(
    pl.kernel,
    out_type=jax.ShapeDtypeStruct((NUM_CORES, N_PAD, D), jnp.float32),
    mesh=plsc.VectorSubcoreMesh(core_axis_name="c", subcore_axis_name="s"),
    compiler_params=pltpu.CompilerParams(
        needs_layout_passes=False, use_tc_tiling_on_sc=False),
    scratch_types=[
        pltpu.VMEM((HEADS * N_NODES,), jnp.int32),
        pltpu.VMEM((3, BLK), jnp.int32),
        pltpu.VMEM((BLK, D), jnp.float32),
        pltpu.VMEM((HEADS * BLK,), jnp.float32),
        pltpu.VMEM_SHARED((N_PAD, D), jnp.float32),
        pltpu.SemaphoreType.DMA,
    ],
)(_sc_body)


def kernel(x_tangent0, edge_index, edge_weight, W):
    src = edge_index[0].astype(jnp.int32)
    dst = edge_index[1].astype(jnp.int32)
    ew_bits = lax.bitcast_convert_type(edge_weight, jnp.int32)
    pad_cols = E_PER_W - E_REAL_W
    sde = jnp.stack([
        jnp.pad(src.reshape(NW, E_REAL_W), ((0, 0), (0, pad_cols))).reshape(-1),
        jnp.pad(dst.reshape(NW, E_REAL_W), ((0, 0), (0, pad_cols))).reshape(-1),
        jnp.pad(ew_bits.reshape(NW, E_REAL_W), ((0, 0), (0, pad_cols))).reshape(-1),
    ])
    w1 = W[0, :C]
    w2 = W[0, C:]
    eye = jnp.eye(HEADS, dtype=jnp.float32)
    wm1 = jnp.kron(eye, w1[:, None])
    wm2 = jnp.kron(eye, w2[:, None])
    tab = _tc_prep(x_tangent0, wm1, wm2).reshape(-1)
    zeros = jnp.zeros((ROWS_PER_TILE, D), jnp.float32)
    partials = _sc_main(tab, sde, x_tangent0, zeros)
    return _tc_combine(partials)

# --- scband reference (transcript-rebuilt; emitter-appended) ---
"""Pipeline reference for scband-pyg-att-plus-55516747268137 (READ-ONLY COPY).

The authoritative reference and input builder live on the scoring server;
editing this copy changes nothing except your own understanding.
"""

import jax, jax.numpy as jnp
import numpy as np

HEADS = 4
OUT_CHANNELS = 32  # out_features // heads = 128 // 4
N_NODES = 10000
N_EDGES = 320000
D_FEAT = 128


def setup_inputs(seed: int = 0) -> dict:
    key = jax.random.key(seed)
    k1, k2, k3, k4 = jax.random.split(key, 4)
    x_tangent0 = jax.random.normal(k1, (N_NODES, D_FEAT), dtype=jnp.float32)
    edge_index = jax.random.randint(k2, (2, N_EDGES), 0, N_NODES, dtype=jnp.int64)
    edge_weight = jax.random.uniform(k3, (N_EDGES,), dtype=jnp.float32)
    # attention linear weight: nn.Linear(2*out_channels, 1, bias=False) -> [1, 64]
    W = jax.random.normal(k4, (1, 2 * OUT_CHANNELS), dtype=jnp.float32) * (1.414 * np.sqrt(2.0 / (2 * OUT_CHANNELS + 1)))
    return {"x_tangent0": x_tangent0, "edge_index": edge_index, "edge_weight": edge_weight, "W": W}


def reference(x_tangent0, edge_index, edge_weight, W):
    # edge_weight corresponds to the values of the sparse COO edge_index in the torch module
    edge_index_i = edge_index[0]
    edge_index_j = edge_index[1]
    x_i = jnp.take(x_tangent0, edge_index_i, axis=0)  # gather [E, D]
    x_j = jnp.take(x_tangent0, edge_index_j, axis=0)
    x_i = x_i.reshape(-1, HEADS, OUT_CHANNELS)
    x_j = x_j.reshape(-1, HEADS, OUT_CHANNELS)
    cat = jnp.concatenate((x_i, x_j), axis=2)  # [E, H, 2*C]
    alpha = jnp.squeeze(cat @ W.T, axis=-1)  # [E, H]
    # weights.unsqueeze(1) since alpha is 2-D (heads > 1)
    beta = edge_weight[:, None] * jax.nn.sigmoid(alpha)  # [E, H]
    msg = x_j * beta.reshape(-1, HEADS, 1)  # [E, H, C]
    support_t = jax.ops.segment_sum(msg, edge_index_i, num_segments=x_tangent0.shape[0])
    # concat=True
    support_t = support_t.reshape(-1, HEADS * OUT_CHANNELS)
    return support_t

if __name__ == "__main__":
    import jax
    _d = setup_inputs()
    print(jax.jit(kernel)(*tuple(_d.values())))

</pallas_src>

<mosaic_0001>
#map = affine_map<(d0, d1) -> (0)>
#map1 = affine_map<(d0, d1) -> (0, 0)>
#map2 = affine_map<(d0, d1) -> (0, 0, 0)>
module attributes {stable_mosaic.version = 14 : i64} {
  func.func @_sc_body(%arg0: i32, %arg1: i32, %arg2: memref<40000xi32, #tpu.memory_space<hbm>>, %arg3: memref<3x321536xi32, #tpu.memory_space<hbm>>, %arg4: memref<10000x128xf32, #tpu.memory_space<hbm>>, %arg5: memref<640x128xf32, #tpu.memory_space<hbm>>, %arg6: memref<2x10240x128xf32, #tpu.memory_space<hbm>>, %arg7: memref<40000xi32, #tpu.memory_space<vmem>>, %arg8: memref<3x64xi32, #tpu.memory_space<vmem>>, %arg9: memref<64x128xf32, #tpu.memory_space<vmem>>, %arg10: memref<256xf32, #tpu.memory_space<vmem>>, %arg11: memref<10240x128xf32, #tpu.memory_space<vmem_shared>>, %arg12: memref<!tpu.dma_semaphore, #tpu.memory_space<semaphore_mem>>) attributes {dimension_semantics = [#tpu.dimension_semantics<core_parallel>, #tpu.dimension_semantics<subcore_parallel>], iteration_bounds = array<i64: 2, 16>, scalar_prefetch = 0 : i64, scratch_operands = 6 : i64, tpu.core_type = #tpu.core_type<sc_vector_subcore>, window_params = [{transform_indices = #map}, {transform_indices = #map1}, {transform_indices = #map1}, {transform_indices = #map1}, {transform_indices = #map2}]} {
    %mul3A = arith.constant 16 : i32
    %mul3A_0 = arith.muli %arg0, %mul3A : i32
    %add3A = arith.addi %mul3A_0, %arg1 : i32
    %mul3A_1 = arith.constant 10048 : i32
    %mul3A_2 = arith.muli %add3A, %mul3A_1 : i32
    %mul3A_3 = arith.constant 640 : i32
    %mul3A_4 = arith.muli %arg1, %mul3A_3 : i32
    "tpu.region"() ({
      %run_scoped3A = tpu.sem_alloc : memref<!tpu.dma_semaphore, #tpu.memory_space<semaphore_mem>>
      %dma_start3A = arith.constant 0 : i32
      %dma_start3A_13 = tpu.memref_slice %arg11[%mul3A_4, %dma_start3A] : memref<10240x128xf32, #tpu.memory_space<vmem_shared>> -> memref<640x128xf32, #tpu.memory_space<vmem_shared>>
      tpu.enqueue_dma source(%arg5 : memref<640x128xf32, #tpu.memory_space<hbm>>) target(%dma_start3A_13 : memref<640x128xf32, #tpu.memory_space<vmem_shared>>) target_semaphore(%run_scoped3A : memref<!tpu.dma_semaphore, #tpu.memory_space<semaphore_mem>>)
      %dma_wait3A = arith.constant 0 : i32
      %dma_wait3A_14 = tpu.memref_slice %arg11[%mul3A_4, %dma_wait3A] : memref<10240x128xf32, #tpu.memory_space<vmem_shared>> -> memref<640x128xf32, #tpu.memory_space<vmem_shared>>
      tpu.wait_dma2 semaphore(%run_scoped3A : memref<!tpu.dma_semaphore, #tpu.memory_space<semaphore_mem>>) src(%arg5 : memref<640x128xf32, #tpu.memory_space<hbm>>) dst(%dma_wait3A_14 : memref<640x128xf32, #tpu.memory_space<vmem_shared>>)
      tpu.yield
    }) : () -> ()
    "tpu.region"() ({
      %run_scoped3A = tpu.sem_alloc : memref<!tpu.dma_semaphore, #tpu.memory_space<semaphore_mem>>
      tpu.enqueue_dma source(%arg2 : memref<40000xi32, #tpu.memory_space<hbm>>) target(%arg7 : memref<40000xi32, #tpu.memory_space<vmem>>) target_semaphore(%run_scoped3A : memref<!tpu.dma_semaphore, #tpu.memory_space<semaphore_mem>>)
      tpu.wait_dma2 semaphore(%run_scoped3A : memref<!tpu.dma_semaphore, #tpu.memory_space<semaphore_mem>>) src(%arg2 : memref<40000xi32, #tpu.memory_space<hbm>>) dst(%arg7 : memref<40000xi32, #tpu.memory_space<vmem>>)
      tpu.yield
    }) : () -> ()
    %barrier3A = arith.constant 0 : index
    tpu.barrier barrier_id(%barrier3A)
    %scan3A = arith.constant 0 : i32
    %scan3A_5 = arith.constant 0 : i32
    %scan3A_6 = arith.constant 157 : i32
    %scan3A_7 = arith.addi %scan3A_5, %scan3A_6 : i32
    %scan3A_8 = arith.constant 1 : i32
    scf.for %scan3A_13 = %scan3A_5 to %scan3A_7 step %scan3A_8  : i32 {
      %mul3A_14 = arith.constant 64 : i32
      %mul3A_15 = arith.muli %scan3A_13, %mul3A_14 : i32
      %add3A_16 = arith.addi %mul3A_2, %mul3A_15 : i32
      "tpu.region"() ({
        %run_scoped3A_510 = tpu.sem_alloc : memref<!tpu.dma_semaphore, #tpu.memory_space<semaphore_mem>>
        %dma_start3A_511 = arith.constant 0 : i32
        %dma_start3A_512 = tpu.memref_slice %arg3[%dma_start3A_511, %add3A_16] : memref<3x321536xi32, #tpu.memory_space<hbm>> -> memref<3x64xi32, #tpu.memory_space<hbm>>
        %dma_start3A_513 = arith.constant 0 : i32
        %dma_start3A_514 = tpu.memref_slice %arg3[%dma_start3A_513, %add3A_16] : memref<3x321536xi32, #tpu.memory_space<hbm>> -> memref<3x64xi32, #tpu.memory_space<hbm>>
        tpu.enqueue_dma source(%dma_start3A_514 : memref<3x64xi32, #tpu.memory_space<hbm>>) target(%arg8 : memref<3x64xi32, #tpu.memory_space<vmem>>) target_semaphore(%run_scoped3A_510 : memref<!tpu.dma_semaphore, #tpu.memory_space<semaphore_mem>>)
        %dma_wait3A_515 = arith.constant 0 : i32
        %dma_wait3A_516 = tpu.memref_slice %arg3[%dma_wait3A_515, %add3A_16] : memref<3x321536xi32, #tpu.memory_space<hbm>> -> memref<3x64xi32, #tpu.memory_space<hbm>>
        %dma_wait3A_517 = arith.constant 0 : i32
        %dma_wait3A_518 = tpu.memref_slice %arg3[%dma_wait3A_517, %add3A_16] : memref<3x321536xi32, #tpu.memory_space<hbm>> -> memref<3x64xi32, #tpu.memory_space<hbm>>
        tpu.wait_dma2 semaphore(%run_scoped3A_510 : memref<!tpu.dma_semaphore, #tpu.memory_space<semaphore_mem>>) src(%dma_wait3A_518 : memref<3x64xi32, #tpu.memory_space<hbm>>) dst(%arg8 : memref<3x64xi32, #tpu.memory_space<vmem>>)
        tpu.yield
      }) : () -> ()
      %dma_start3A = arith.constant 1 : i32
      %dma_start3A_17 = arith.constant 0 : i32
      %dma_start3A_18 = tpu.memref_slice %arg8[%dma_start3A, %dma_start3A_17] : memref<3x64xi32, #tpu.memory_space<vmem>> -> memref<1x64xi32, #tpu.memory_space<vmem>>
      %dma_start3A_19 = tpu.memref_squeeze %dma_start3A_18 : memref<1x64xi32, #tpu.memory_space<vmem>> -> memref<64xi32, #tpu.memory_space<vmem>>
      %dma_start3A_20 = arith.constant 0 : i32
      %dma_start3A_21 = arith.constant 0 : i32
      %dma_start3A_22 = tpu.memref_slice %arg4[%dma_start3A_20, %dma_start3A_21] : memref<10000x128xf32, #tpu.memory_space<hbm>> -> memref<10000x128xf32, #tpu.memory_space<hbm>>
      tpu.enqueue_indirect_dma source(%dma_start3A_22 : memref<10000x128xf32, #tpu.memory_space<hbm>>) target(%arg9 : memref<64x128xf32, #tpu.memory_space<vmem>>) offsets(%dma_start3A_19 : memref<64xi32, #tpu.memory_space<vmem>>) semaphore(%arg12 : memref<!tpu.dma_semaphore, #tpu.memory_space<semaphore_mem>>)
      %get3A = arith.constant 0 : i32
      %get3A_23 = arith.index_cast %get3A : i32 to index
      %get3A_24 = arith.constant 0 : index
      %get3A_25 = tpu.vector_load %arg8[%get3A_23, %get3A_24] {strides = array<i32>} : memref<3x64xi32, #tpu.memory_space<vmem>>, vector<16xi32>,
      %get3A_26 = arith.constant 1 : i32
      %get3A_27 = arith.index_cast %get3A_26 : i32 to index
      %get3A_28 = arith.constant 0 : index
      %get3A_29 = tpu.vector_load %arg8[%get3A_27, %get3A_28] {strides = array<i32>} : memref<3x64xi32, #tpu.memory_space<vmem>>, vector<16xi32>,
      %get3A_30 = arith.constant 2 : i32
      %get3A_31 = arith.index_cast %get3A_30 : i32 to index
      %get3A_32 = arith.constant 0 : index
      %get3A_33 = tpu.vector_load %arg8[%get3A_31, %get3A_32] {strides = array<i32>} : memref<3x64xi32, #tpu.memory_space<vmem>>, vector<16xi32>,
      %bitcast3A = vector.bitcast %get3A_33 : vector<16xi32> to vector<16xf32>
      %add3A_34 = arith.constant 0 : i32
      %add3A_35 = vector.broadcast %add3A_34 : i32 to vector<16xi32>
      %add3A_36 = arith.addi %get3A_25, %add3A_35 : vector<16xi32>
      %gather3A = tpu.vector_load_idx %arg7[%add3A_36] : memref<40000xi32, #tpu.memory_space<vmem>>[vector<16xi32>], vector<16xi32>,
      %add3A_37 = arith.constant 0 : i32
      %add3A_38 = vector.broadcast %add3A_37 : i32 to vector<16xi32>
      %add3A_39 = arith.addi %get3A_29, %add3A_38 : vector<16xi32>
      %gather3A_40 = tpu.vector_load_idx %arg7[%add3A_39] : memref<40000xi32, #tpu.memory_space<vmem>>[vector<16xi32>], vector<16xi32>,
      %and3A = arith.constant -65536 : i32
      %and3A_41 = vector.broadcast %and3A : i32 to vector<16xi32>
      %and3A_42 = arith.andi %gather3A, %and3A_41 : vector<16xi32>
      %bitcast3A_43 = vector.bitcast %and3A_42 : vector<16xi32> to vector<16xf32>
      %shift_left3A = arith.constant 16 : i32
      %shift_left3A_44 = vector.broadcast %shift_left3A : i32 to vector<16xi32>
      %shift_left3A_45 = arith.shli %gather3A_40, %shift_left3A_44 : vector<16xi32>
      %bitcast3A_46 = vector.bitcast %shift_left3A_45 : vector<16xi32> to vector<16xf32>
      %add3A_47 = arith.addf %bitcast3A_43, %bitcast3A_46 : vector<16xf32>
      %neg3A = arith.constant 0.000000e+00 : f32
      %neg3A_48 = vector.broadcast %neg3A : f32 to vector<16xf32>
      %neg3A_49 = arith.subf %neg3A_48, %add3A_47 : vector<16xf32>
      %exp3A = math.exp %neg3A_49 : vector<16xf32>
      %add3A_50 = arith.constant 1.000000e+00 : f32
      %add3A_51 = vector.broadcast %add3A_50 : f32 to vector<16xf32>
      %add3A_52 = arith.addf %add3A_51, %exp3A : vector<16xf32>
      %div3A = arith.divf %bitcast3A, %add3A_52 : vector<16xf32>
      %swap3A = arith.constant 0 : index
      %swap3A_53 = tpu.vector_load %arg10[%swap3A] {strides = array<i32>} : memref<256xf32, #tpu.memory_space<vmem>>, vector<16xf32>,
      tpu.vector_store %arg10[%swap3A], %div3A {strides = array<i32>} : memref<256xf32, #tpu.memory_space<vmem>>, vector<16xf32>,
      %add3A_54 = arith.constant 10000 : i32
      %add3A_55 = vector.broadcast %add3A_54 : i32 to vector<16xi32>
      %add3A_56 = arith.addi %get3A_25, %add3A_55 : vector<16xi32>
      %gather3A_57 = tpu.vector_load_idx %arg7[%add3A_56] : memref<40000xi32, #tpu.memory_space<vmem>>[vector<16xi32>], vector<16xi32>,
      %add3A_58 = arith.constant 10000 : i32
      %add3A_59 = vector.broadcast %add3A_58 : i32 to vector<16xi32>
      %add3A_60 = arith.addi %get3A_29, %add3A_59 : vector<16xi32>
      %gather3A_61 = tpu.vector_load_idx %arg7[%add3A_60] : memref<40000xi32, #tpu.memory_space<vmem>>[vector<16xi32>], vector<16xi32>,
      %and3A_62 = arith.constant -65536 : i32
      %and3A_63 = vector.broadcast %and3A_62 : i32 to vector<16xi32>
      %and3A_64 = arith.andi %gather3A_57, %and3A_63 : vector<16xi32>
      %bitcast3A_65 = vector.bitcast %and3A_64 : vector<16xi32> to vector<16xf32>
      %shift_left3A_66 = arith.constant 16 : i32
      %shift_left3A_67 = vector.broadcast %shift_left3A_66 : i32 to vector<16xi32>
      %shift_left3A_68 = arith.shli %gather3A_61, %shift_left3A_67 : vector<16xi32>
      %bitcast3A_69 = vector.bitcast %shift_left3A_68 : vector<16xi32> to vector<16xf32>
      %add3A_70 = arith.addf %bitcast3A_65, %bitcast3A_69 : vector<16xf32>
      %neg3A_71 = arith.constant 0.000000e+00 : f32
      %neg3A_72 = vector.broadcast %neg3A_71 : f32 to vector<16xf32>
      %neg3A_73 = arith.subf %neg3A_72, %add3A_70 : vector<16xf32>
      %exp3A_74 = math.exp %neg3A_73 : vector<16xf32>
      %add3A_75 = arith.constant 1.000000e+00 : f32
      %add3A_76 = vector.broadcast %add3A_75 : f32 to vector<16xf32>
      %add3A_77 = arith.addf %add3A_76, %exp3A_74 : vector<16xf32>
      %div3A_78 = arith.divf %bitcast3A, %add3A_77 : vector<16xf32>
      %swap3A_79 = arith.constant 64 : index
      %swap3A_80 = tpu.vector_load %arg10[%swap3A_79] {strides = array<i32>} : memref<256xf32, #tpu.memory_space<vmem>>, vector<16xf32>,
      tpu.vector_store %arg10[%swap3A_79], %div3A_78 {strides = array<i32>} : memref<256xf32, #tpu.memory_space<vmem>>, vector<16xf32>,
      %add3A_81 = arith.constant 20000 : i32
      %add3A_82 = vector.broadcast %add3A_81 : i32 to vector<16xi32>
      %add3A_83 = arith.addi %get3A_25, %add3A_82 : vector<16xi32>
      %gather3A_84 = tpu.vector_load_idx %arg7[%add3A_83] : memref<40000xi32, #tpu.memory_space<vmem>>[vector<16xi32>], vector<16xi32>,
      %add3A_85 = arith.constant 20000 : i32
      %add3A_86 = vector.broadcast %add3A_85 : i32 to vector<16xi32>
      %add3A_87 = arith.addi %get3A_29, %add3A_86 : vector<16xi32>
      %gather3A_88 = tpu.vector_load_idx %arg7[%add3A_87] : memref<40000xi32, #tpu.memory_space<vmem>>[vector<16xi32>], vector<16xi32>,
      %and3A_89 = arith.constant -65536 : i32
      %and3A_90 = vector.broadcast %and3A_89 : i32 to vector<16xi32>
      %and3A_91 = arith.andi %gather3A_84, %and3A_90 : vector<16xi32>
      %bitcast3A_92 = vector.bitcast %and3A_91 : vector<16xi32> to vector<16xf32>
      %shift_left3A_93 = arith.constant 16 : i32
      %shift_left3A_94 = vector.broadcast %shift_left3A_93 : i32 to vector<16xi32>
      %shift_left3A_95 = arith.shli %gather3A_88, %shift_left3A_94 : vector<16xi32>
      %bitcast3A_96 = vector.bitcast %shift_left3A_95 : vector<16xi32> to vector<16xf32>
      %add3A_97 = arith.addf %bitcast3A_92, %bitcast3A_96 : vector<16xf32>
      %neg3A_98 = arith.constant 0.000000e+00 : f32
      %neg3A_99 = vector.broadcast %neg3A_98 : f32 to vector<16xf32>
      %neg3A_100 = arith.subf %neg3A_99, %add3A_97 : vector<16xf32>
      %exp3A_101 = math.exp %neg3A_100 : vector<16xf32>
      %add3A_102 = arith.constant 1.000000e+00 : f32
      %add3A_103 = vector.broadcast %add3A_102 : f32 to vector<16xf32>
      %add3A_104 = arith.addf %add3A_103, %exp3A_101 : vector<16xf32>
      %div3A_105 = arith.divf %bitcast3A, %add3A_104 : vector<16xf32>
      %swap3A_106 = arith.constant 128 : index
      %swap3A_107 = tpu.vector_load %arg10[%swap3A_106] {strides = array<i32>} : memref<256xf32, #tpu.memory_space<vmem>>, vector<16xf32>,
      tpu.vector_store %arg10[%swap3A_106], %div3A_105 {strides = array<i32>} : memref<256xf32, #tpu.memory_space<vmem>>, vector<16xf32>,
      %add3A_108 = arith.constant 30000 : i32
      %add3A_109 = vector.broadcast %add3A_108 : i32 to vector<16xi32>
      %add3A_110 = arith.addi %get3A_25, %add3A_109 : vector<16xi32>
      %gather3A_111 = tpu.vector_load_idx %arg7[%add3A_110] : memref<40000xi32, #tpu.memory_space<vmem>>[vector<16xi32>], vector<16xi32>,
      %add3A_112 = arith.constant 30000 : i32
      %add3A_113 = vector.broadcast %add3A_112 : i32 to vector<16xi32>
      %add3A_114 = arith.addi %get3A_29, %add3A_113 : vector<16xi32>
      %gather3A_115 = tpu.vector_load_idx %arg7[%add3A_114] : memref<40000xi32, #tpu.memory_space<vmem>>[vector<16xi32>], vector<16xi32>,
      %and3A_116 = arith.constant -65536 : i32
      %and3A_117 = vector.broadcast %and3A_116 : i32 to vector<16xi32>
      %and3A_118 = arith.andi %gather3A_111, %and3A_117 : vector<16xi32>
      %bitcast3A_119 = vector.bitcast %and3A_118 : vector<16xi32> to vector<16xf32>
      %shift_left3A_120 = arith.constant 16 : i32
      %shift_left3A_121 = vector.broadcast %shift_left3A_120 : i32 to vector<16xi32>
      %shift_left3A_122 = arith.shli %gather3A_115, %shift_left3A_121 : vector<16xi32>
      %bitcast3A_123 = vector.bitcast %shift_left3A_122 : vector<16xi32> to vector<16xf32>
      %add3A_124 = arith.addf %bitcast3A_119, %bitcast3A_123 : vector<16xf32>
      %neg3A_125 = arith.constant 0.000000e+00 : f32
      %neg3A_126 = vector.broadcast %neg3A_125 : f32 to vector<16xf32>
      %neg3A_127 = arith.subf %neg3A_126, %add3A_124 : vector<16xf32>
      %exp3A_128 = math.exp %neg3A_127 : vector<16xf32>
      %add3A_129 = arith.constant 1.000000e+00 : f32
      %add3A_130 = vector.broadcast %add3A_129 : f32 to vector<16xf32>
      %add3A_131 = arith.addf %add3A_130, %exp3A_128 : vector<16xf32>
      %div3A_132 = arith.divf %bitcast3A, %add3A_131 : vector<16xf32>
      %swap3A_133 = arith.constant 192 : index
      %swap3A_134 = tpu.vector_load %arg10[%swap3A_133] {strides = array<i32>} : memref<256xf32, #tpu.memory_space<vmem>>, vector<16xf32>,
      tpu.vector_store %arg10[%swap3A_133], %div3A_132 {strides = array<i32>} : memref<256xf32, #tpu.memory_space<vmem>>, vector<16xf32>,
      %get3A_135 = arith.constant 0 : i32
      %get3A_136 = arith.index_cast %get3A_135 : i32 to index
      %get3A_137 = arith.constant 16 : index
      %get3A_138 = tpu.vector_load %arg8[%get3A_136, %get3A_137] {strides = array<i32>} : memref<3x64xi32, #tpu.memory_space<vmem>>, vector<16xi32>,
      %get3A_139 = arith.constant 1 : i32
      %get3A_140 = arith.index_cast %get3A_139 : i32 to index
      %get3A_141 = arith.constant 16 : index
      %get3A_142 = tpu.vector_load %arg8[%get3A_140, %get3A_141] {strides = array<i32>} : memref<3x64xi32, #tpu.memory_space<vmem>>, vector<16xi32>,
      %get3A_143 = arith.constant 2 : i32
      %get3A_144 = arith.index_cast %get3A_143 : i32 to index
      %get3A_145 = arith.constant 16 : index
      %get3A_146 = tpu.vector_load %arg8[%get3A_144, %get3A_145] {strides = array<i32>} : memref<3x64xi32, #tpu.memory_space<vmem>>, vector<16xi32>,
      %bitcast3A_147 = vector.bitcast %get3A_146 : vector<16xi32> to vector<16xf32>
      %add3A_148 = arith.constant 0 : i32
      %add3A_149 = vector.broadcast %add3A_148 : i32 to vector<16xi32>
      %add3A_150 = arith.addi %get3A_138, %add3A_149 : vector<16xi32>
      %gather3A_151 = tpu.vector_load_idx %arg7[%add3A_150] : memref<40000xi32, #tpu.memory_space<vmem>>[vector<16xi32>], vector<16xi32>,
      %add3A_152 = arith.constant 0 : i32
      %add3A_153 = vector.broadcast %add3A_152 : i32 to vector<16xi32>
      %add3A_154 = arith.addi %get3A_142, %add3A_153 : vector<16xi32>
      %gather3A_155 = tpu.vector_load_idx %arg7[%add3A_154] : memref<40000xi32, #tpu.memory_space<vmem>>[vector<16xi32>], vector<16xi32>,
      %and3A_156 = arith.constant -65536 : i32
      %and3A_157 = vector.broadcast %and3A_156 : i32 to vector<16xi32>
      %and3A_158 = arith.andi %gather3A_151, %and3A_157 : vector<16xi32>
      %bitcast3A_159 = vector.bitcast %and3A_158 : vector<16xi32> to vector<16xf32>
      %shift_left3A_160 = arith.constant 16 : i32
      %shift_left3A_161 = vector.broadcast %shift_left3A_160 : i32 to vector<16xi32>
      %shift_left3A_162 = arith.shli %gather3A_155, %shift_left3A_161 : vector<16xi32>
      %bitcast3A_163 = vector.bitcast %shift_left3A_162 : vector<16xi32> to vector<16xf32>
      %add3A_164 = arith.addf %bitcast3A_159, %bitcast3A_163 : vector<16xf32>
      %neg3A_165 = arith.constant 0.000000e+00 : f32
      %neg3A_166 = vector.broadcast %neg3A_165 : f32 to vector<16xf32>
      %neg3A_167 = arith.subf %neg3A_166, %add3A_164 : vector<16xf32>
      %exp3A_168 = math.exp %neg3A_167 : vector<16xf32>
      %add3A_169 = arith.constant 1.000000e+00 : f32
      %add3A_170 = vector.broadcast %add3A_169 : f32 to vector<16xf32>
      %add3A_171 = arith.addf %add3A_170, %exp3A_168 : vector<16xf32>
      %div3A_172 = arith.divf %bitcast3A_147, %add3A_171 : vector<16xf32>
      %swap3A_173 = arith.constant 16 : index
      %swap3A_174 = tpu.vector_load %arg10[%swap3A_173] {strides = array<i32>} : memref<256xf32, #tpu.memory_space<vmem>>, vector<16xf32>,
      tpu.vector_store %arg10[%swap3A_173], %div3A_172 {strides = array<i32>} : memref<256xf32, #tpu.memory_space<vmem>>, vector<16xf32>,
      %add3A_175 = arith.constant 10000 : i32
      %add3A_176 = vector.broadcast %add3A_175 : i32 to vector<16xi32>
      %add3A_177 = arith.addi %get3A_138, %add3A_176 : vector<16xi32>
      %gather3A_178 = tpu.vector_load_idx %arg7[%add3A_177] : memref<40000xi32, #tpu.memory_space<vmem>>[vector<16xi32>], vector<16xi32>,
      %add3A_179 = arith.constant 10000 : i32
      %add3A_180 = vector.broadcast %add3A_179 : i32 to vector<16xi32>
      %add3A_181 = arith.addi %get3A_142, %add3A_180 : vector<16xi32>
      %gather3A_182 = tpu.vector_load_idx %arg7[%add3A_181] : memref<40000xi32, #tpu.memory_space<vmem>>[vector<16xi32>], vector<16xi32>,
      %and3A_183 = arith.constant -65536 : i32
      %and3A_184 = vector.broadcast %and3A_183 : i32 to vector<16xi32>
      %and3A_185 = arith.andi %gather3A_178, %and3A_184 : vector<16xi32>
      %bitcast3A_186 = vector.bitcast %and3A_185 : vector<16xi32> to vector<16xf32>
      %shift_left3A_187 = arith.constant 16 : i32
      %shift_left3A_188 = vector.broadcast %shift_left3A_187 : i32 to vector<16xi32>
      %shift_left3A_189 = arith.shli %gather3A_182, %shift_left3A_188 : vector<16xi32>
      %bitcast3A_190 = vector.bitcast %shift_left3A_189 : vector<16xi32> to vector<16xf32>
      %add3A_191 = arith.addf %bitcast3A_186, %bitcast3A_190 : vector<16xf32>
      %neg3A_192 = arith.constant 0.000000e+00 : f32
      %neg3A_193 = vector.broadcast %neg3A_192 : f32 to vector<16xf32>
      %neg3A_194 = arith.subf %neg3A_193, %add3A_191 : vector<16xf32>
      %exp3A_195 = math.exp %neg3A_194 : vector<16xf32>
      %add3A_196 = arith.constant 1.000000e+00 : f32
      %add3A_197 = vector.broadcast %add3A_196 : f32 to vector<16xf32>
      %add3A_198 = arith.addf %add3A_197, %exp3A_195 : vector<16xf32>
      %div3A_199 = arith.divf %bitcast3A_147, %add3A_198 : vector<16xf32>
      %swap3A_200 = arith.constant 80 : index
      %swap3A_201 = tpu.vector_load %arg10[%swap3A_200] {strides = array<i32>} : memref<256xf32, #tpu.memory_space<vmem>>, vector<16xf32>,
      tpu.vector_store %arg10[%swap3A_200], %div3A_199 {strides = array<i32>} : memref<256xf32, #tpu.memory_space<vmem>>, vector<16xf32>,
      %add3A_202 = arith.constant 20000 : i32
      %add3A_203 = vector.broadcast %add3A_202 : i32 to vector<16xi32>
      %add3A_204 = arith.addi %get3A_138, %add3A_203 : vector<16xi32>
      %gather3A_205 = tpu.vector_load_idx %arg7[%add3A_204] : memref<40000xi32, #tpu.memory_space<vmem>>[vector<16xi32>], vector<16xi32>,
      %add3A_206 = arith.constant 20000 : i32
      %add3A_207 = vector.broadcast %add3A_206 : i32 to vector<16xi32>
      %add3A_208 = arith.addi %get3A_142, %add3A_207 : vector<16xi32>
      %gather3A_209 = tpu.vector_load_idx %arg7[%add3A_208] : memref<40000xi32, #tpu.memory_space<vmem>>[vector<16xi32>], vector<16xi32>,
      %and3A_210 = arith.constant -65536 : i32
      %and3A_211 = vector.broadcast %and3A_210 : i32 to vector<16xi32>
      %and3A_212 = arith.andi %gather3A_205, %and3A_211 : vector<16xi32>
      %bitcast3A_213 = vector.bitcast %and3A_212 : vector<16xi32> to vector<16xf32>
      %shift_left3A_214 = arith.constant 16 : i32
      %shift_left3A_215 = vector.broadcast %shift_left3A_214 : i32 to vector<16xi32>
      %shift_left3A_216 = arith.shli %gather3A_209, %shift_left3A_215 : vector<16xi32>
      %bitcast3A_217 = vector.bitcast %shift_left3A_216 : vector<16xi32> to vector<16xf32>
      %add3A_218 = arith.addf %bitcast3A_213, %bitcast3A_217 : vector<16xf32>
      %neg3A_219 = arith.constant 0.000000e+00 : f32
      %neg3A_220 = vector.broadcast %neg3A_219 : f32 to vector<16xf32>
      %neg3A_221 = arith.subf %neg3A_220, %add3A_218 : vector<16xf32>
      %exp3A_222 = math.exp %neg3A_221 : vector<16xf32>
      %add3A_223 = arith.constant 1.000000e+00 : f32
      %add3A_224 = vector.broadcast %add3A_223 : f32 to vector<16xf32>
      %add3A_225 = arith.addf %add3A_224, %exp3A_222 : vector<16xf32>
      %div3A_226 = arith.divf %bitcast3A_147, %add3A_225 : vector<16xf32>
      %swap3A_227 = arith.constant 144 : index
      %swap3A_228 = tpu.vector_load %arg10[%swap3A_227] {strides = array<i32>} : memref<256xf32, #tpu.memory_space<vmem>>, vector<16xf32>,
      tpu.vector_store %arg10[%swap3A_227], %div3A_226 {strides = array<i32>} : memref<256xf32, #tpu.memory_space<vmem>>, vector<16xf32>,
      %add3A_229 = arith.constant 30000 : i32
      %add3A_230 = vector.broadcast %add3A_229 : i32 to vector<16xi32>
      %add3A_231 = arith.addi %get3A_138, %add3A_230 : vector<16xi32>
      %gather3A_232 = tpu.vector_load_idx %arg7[%add3A_231] : memref<40000xi32, #tpu.memory_space<vmem>>[vector<16xi32>], vector<16xi32>,
      %add3A_233 = arith.constant 30000 : i32
      %add3A_234 = vector.broadcast %add3A_233 : i32 to vector<16xi32>
      %add3A_235 = arith.addi %get3A_142, %add3A_234 : vector<16xi32>
      %gather3A_236 = tpu.vector_load_idx %arg7[%add3A_235] : memref<40000xi32, #tpu.memory_space<vmem>>[vector<16xi32>], vector<16xi32>,
      %and3A_237 = arith.constant -65536 : i32
      %and3A_238 = vector.broadcast %and3A_237 : i32 to vector<16xi32>
      %and3A_239 = arith.andi %gather3A_232, %and3A_238 : vector<16xi32>
      %bitcast3A_240 = vector.bitcast %and3A_239 : vector<16xi32> to vector<16xf32>
      %shift_left3A_241 = arith.constant 16 : i32
      %shift_left3A_242 = vector.broadcast %shift_left3A_241 : i32 to vector<16xi32>
      %shift_left3A_243 = arith.shli %gather3A_236, %shift_left3A_242 : vector<16xi32>
      %bitcast3A_244 = vector.bitcast %shift_left3A_243 : vector<16xi32> to vector<16xf32>
      %add3A_245 = arith.addf %bitcast3A_240, %bitcast3A_244 : vector<16xf32>
      %neg3A_246 = arith.constant 0.000000e+00 : f32
      %neg3A_247 = vector.broadcast %neg3A_246 : f32 to vector<16xf32>
      %neg3A_248 = arith.subf %neg3A_247, %add3A_245 : vector<16xf32>
      %exp3A_249 = math.exp %neg3A_248 : vector<16xf32>
      %add3A_250 = arith.constant 1.000000e+00 : f32
      %add3A_251 = vector.broadcast %add3A_250 : f32 to vector<16xf32>
      %add3A_252 = arith.addf %add3A_251, %exp3A_249 : vector<16xf32>
      %div3A_253 = arith.divf %bitcast3A_147, %add3A_252 : vector<16xf32>
      %swap3A_254 = arith.constant 208 : index
      %swap3A_255 = tpu.vector_load %arg10[%swap3A_254] {strides = array<i32>} : memref<256xf32, #tpu.memory_space<vmem>>, vector<16xf32>,
      tpu.vector_store %arg10[%swap3A_254], %div3A_253 {strides = array<i32>} : memref<256xf32, #tpu.memory_space<vmem>>, vector<16xf32>,
      %get3A_256 = arith.constant 0 : i32
      %get3A_257 = arith.index_cast %get3A_256 : i32 to index
      %get3A_258 = arith.constant 32 : index
      %get3A_259 = tpu.vector_load %arg8[%get3A_257, %get3A_258] {strides = array<i32>} : memref<3x64xi32, #tpu.memory_space<vmem>>, vector<16xi32>,
      %get3A_260 = arith.constant 1 : i32
      %get3A_261 = arith.index_cast %get3A_260 : i32 to index
      %get3A_262 = arith.constant 32 : index
      %get3A_263 = tpu.vector_load %arg8[%get3A_261, %get3A_262] {strides = array<i32>} : memref<3x64xi32, #tpu.memory_space<vmem>>, vector<16xi32>,
      %get3A_264 = arith.constant 2 : i32
      %get3A_265 = arith.index_cast %get3A_264 : i32 to index
      %get3A_266 = arith.constant 32 : index
      %get3A_267 = tpu.vector_load %arg8[%get3A_265, %get3A_266] {strides = array<i32>} : memref<3x64xi32, #tpu.memory_space<vmem>>, vector<16xi32>,
      %bitcast3A_268 = vector.bitcast %get3A_267 : vector<16xi32> to vector<16xf32>
      %add3A_269 = arith.constant 0 : i32
      %add3A_270 = vector.broadcast %add3A_269 : i32 to vector<16xi32>
      %add3A_271 = arith.addi %get3A_259, %add3A_270 : vector<16xi32>
      %gather3A_272 = tpu.vector_load_idx %arg7[%add3A_271] : memref<40000xi32, #tpu.memory_space<vmem>>[vector<16xi32>], vector<16xi32>,
      %add3A_273 = arith.constant 0 : i32
      %add3A_274 = vector.broadcast %add3A_273 : i32 to vector<16xi32>
      %add3A_275 = arith.addi %get3A_263, %add3A_274 : vector<16xi32>
      %gather3A_276 = tpu.vector_load_idx %arg7[%add3A_275] : memref<40000xi32, #tpu.memory_space<vmem>>[vector<16xi32>], vector<16xi32>,
      %and3A_277 = arith.constant -65536 : i32
      %and3A_278 = vector.broadcast %and3A_277 : i32 to vector<16xi32>
      %and3A_279 = arith.andi %gather3A_272, %and3A_278 : vector<16xi32>
      %bitcast3A_280 = vector.bitcast %and3A_279 : vector<16xi32> to vector<16xf32>
      %shift_left3A_281 = arith.constant 16 : i32
      %shift_left3A_282 = vector.broadcast %shift_left3A_281 : i32 to vector<16xi32>
      %shift_left3A_283 = arith.shli %gather3A_276, %shift_left3A_282 : vector<16xi32>
      %bitcast3A_284 = vector.bitcast %shift_left3A_283 : vector<16xi32> to vector<16xf32>
      %add3A_285 = arith.addf %bitcast3A_280, %bitcast3A_284 : vector<16xf32>
      %neg3A_286 = arith.constant 0.000000e+00 : f32
      %neg3A_287 = vector.broadcast %neg3A_286 : f32 to vector<16xf32>
      %neg3A_288 = arith.subf %neg3A_287, %add3A_285 : vector<16xf32>
      %exp3A_289 = math.exp %neg3A_288 : vector<16xf32>
      %add3A_290 = arith.constant 1.000000e+00 : f32
      %add3A_291 = vector.broadcast %add3A_290 : f32 to vector<16xf32>
      %add3A_292 = arith.addf %add3A_291, %exp3A_289 : vector<16xf32>
      %div3A_293 = arith.divf %bitcast3A_268, %add3A_292 : vector<16xf32>
      %swap3A_294 = arith.constant 32 : index
      %swap3A_295 = tpu.vector_load %arg10[%swap3A_294] {strides = array<i32>} : memref<256xf32, #tpu.memory_space<vmem>>, vector<16xf32>,
      tpu.vector_store %arg10[%swap3A_294], %div3A_293 {strides = array<i32>} : memref<256xf32, #tpu.memory_space<vmem>>, vector<16xf32>,
      %add3A_296 = arith.constant 10000 : i32
      %add3A_297 = vector.broadcast %add3A_296 : i32 to vector<16xi32>
      %add3A_298 = arith.addi %get3A_259, %add3A_297 : vector<16xi32>
      %gather3A_299 = tpu.vector_load_idx %arg7[%add3A_298] : memref<40000xi32, #tpu.memory_space<vmem>>[vector<16xi32>], vector<16xi32>,
      %add3A_300 = arith.constant 10000 : i32
      %add3A_301 = vector.broadcast %add3A_300 : i32 to vector<16xi32>
      %add3A_302 = arith.addi %get3A_263, %add3A_301 : vector<16xi32>
      %gather3A_303 = tpu.vector_load_idx %arg7[%add3A_302] : memref<40000xi32, #tpu.memory_space<vmem>>[vector<16xi32>], vector<16xi32>,
      %and3A_304 = arith.constant -65536 : i32
      %and3A_305 = vector.broadcast %and3A_304 : i32 to vector<16xi32>
      %and3A_306 = arith.andi %gather3A_299, %and3A_305 : vector<16xi32>
      %bitcast3A_307 = vector.bitcast %and3A_306 : vector<16xi32> to vector<16xf32>
      %shift_left3A_308 = arith.constant 16 : i32
      %shift_left3A_309 = vector.broadcast %shift_left3A_308 : i32 to vector<16xi32>
      %shift_left3A_310 = arith.shli %gather3A_303, %shift_left3A_309 : vector<16xi32>
      %bitcast3A_311 = vector.bitcast %shift_left3A_310 : vector<16xi32> to vector<16xf32>
      %add3A_312 = arith.addf %bitcast3A_307, %bitcast3A_311 : vector<16xf32>
      %neg3A_313 = arith.constant 0.000000e+00 : f32
      %neg3A_314 = vector.broadcast %neg3A_313 : f32 to vector<16xf32>
      %neg3A_315 = arith.subf %neg3A_314, %add3A_312 : vector<16xf32>
      %exp3A_316 = math.exp %neg3A_315 : vector<16xf32>
      %add3A_317 = arith.constant 1.000000e+00 : f32
      %add3A_318 = vector.broadcast %add3A_317 : f32 to vector<16xf32>
      %add3A_319 = arith.addf %add3A_318, %exp3A_316 : vector<16xf32>
      %div3A_320 = arith.divf %bitcast3A_268, %add3A_319 : vector<16xf32>
      %swap3A_321 = arith.constant 96 : index
      %swap3A_322 = tpu.vector_load %arg10[%swap3A_321] {strides = array<i32>} : memref<256xf32, #tpu.memory_space<vmem>>, vector<16xf32>,
      tpu.vector_store %arg10[%swap3A_321], %div3A_320 {strides = array<i32>} : memref<256xf32, #tpu.memory_space<vmem>>, vector<16xf32>,
      %add3A_323 = arith.constant 20000 : i32
      %add3A_324 = vector.broadcast %add3A_323 : i32 to vector<16xi32>
      %add3A_325 = arith.addi %get3A_259, %add3A_324 : vector<16xi32>
      %gather3A_326 = tpu.vector_load_idx %arg7[%add3A_325] : memref<40000xi32, #tpu.memory_space<vmem>>[vector<16xi32>], vector<16xi32>,
      %add3A_327 = arith.constant 20000 : i32
      %add3A_328 = vector.broadcast %add3A_327 : i32 to vector<16xi32>
      %add3A_329 = arith.addi %get3A_263, %add3A_328 : vector<16xi32>
      %gather3A_330 = tpu.vector_load_idx %arg7[%add3A_329] : memref<40000xi32, #tpu.memory_space<vmem>>[vector<16xi32>], vector<16xi32>,
      %and3A_331 = arith.constant -65536 : i32
      %and3A_332 = vector.broadcast %and3A_331 : i32 to vector<16xi32>
      %and3A_333 = arith.andi %gather3A_326, %and3A_332 : vector<16xi32>
      %bitcast3A_334 = vector.bitcast %and3A_333 : vector<16xi32> to vector<16xf32>
      %shift_left3A_335 = arith.constant 16 : i32
      %shift_left3A_336 = vector.broadcast %shift_left3A_335 : i32 to vector<16xi32>
      %shift_left3A_337 = arith.shli %gather3A_330, %shift_left3A_336 : vector<16xi32>
      %bitcast3A_338 = vector.bitcast %shift_left3A_337 : vector<16xi32> to vector<16xf32>
      %add3A_339 = arith.addf %bitcast3A_334, %bitcast3A_338 : vector<16xf32>
      %neg3A_340 = arith.constant 0.000000e+00 : f32
      %neg3A_341 = vector.broadcast %neg3A_340 : f32 to vector<16xf32>
      %neg3A_342 = arith.subf %neg3A_341, %add3A_339 : vector<16xf32>
      %exp3A_343 = math.exp %neg3A_342 : vector<16xf32>
      %add3A_344 = arith.constant 1.000000e+00 : f32
      %add3A_345 = vector.broadcast %add3A_344 : f32 to vector<16xf32>
      %add3A_346 = arith.addf %add3A_345, %exp3A_343 : vector<16xf32>
      %div3A_347 = arith.divf %bitcast3A_268, %add3A_346 : vector<16xf32>
      %swap3A_348 = arith.constant 160 : index
      %swap3A_349 = tpu.vector_load %arg10[%swap3A_348] {strides = array<i32>} : memref<256xf32, #tpu.memory_space<vmem>>, vector<16xf32>,
      tpu.vector_store %arg10[%swap3A_348], %div3A_347 {strides = array<i32>} : memref<256xf32, #tpu.memory_space<vmem>>, vector<16xf32>,
      %add3A_350 = arith.constant 30000 : i32
      %add3A_351 = vector.broadcast %add3A_350 : i32 to vector<16xi32>
      %add3A_352 = arith.addi %get3A_259, %add3A_351 : vector<16xi32>
      %gather3A_353 = tpu.vector_load_idx %arg7[%add3A_352] : memref<40000xi32, #tpu.memory_space<vmem>>[vector<16xi32>], vector<16xi32>,
      %add3A_354 = arith.constant 30000 : i32
      %add3A_355 = vector.broadcast %add3A_354 : i32 to vector<16xi32>
      %add3A_356 = arith.addi %get3A_263, %add3A_355 : vector<16xi32>
      %gather3A_357 = tpu.vector_load_idx %arg7[%add3A_356] : memref<40000xi32, #tpu.memory_space<vmem>>[vector<16xi32>], vector<16xi32>,
      %and3A_358 = arith.constant -65536 : i32
      %and3A_359 = vector.broadcast %and3A_358 : i32 to vector<16xi32>
      %and3A_360 = arith.andi %gather3A_353, %and3A_359 : vector<16xi32>
      %bitcast3A_361 = vector.bitcast %and3A_360 : vector<16xi32> to vector<16xf32>
      %shift_left3A_362 = arith.constant 16 : i32
      %shift_left3A_363 = vector.broadcast %shift_left3A_362 : i32 to vector<16xi32>
      %shift_left3A_364 = arith.shli %gather3A_357, %shift_left3A_363 : vector<16xi32>
      %bitcast3A_365 = vector.bitcast %shift_left3A_364 : vector<16xi32> to vector<16xf32>
      %add3A_366 = arith.addf %bitcast3A_361, %bitcast3A_365 : vector<16xf32>
      %neg3A_367 = arith.constant 0.000000e+00 : f32
      %neg3A_368 = vector.broadcast %neg3A_367 : f32 to vector<16xf32>
      %neg3A_369 = arith.subf %neg3A_368, %add3A_366 : vector<16xf32>
      %exp3A_370 = math.exp %neg3A_369 : vector<16xf32>
      %add3A_371 = arith.constant 1.000000e+00 : f32
      %add3A_372 = vector.broadcast %add3A_371 : f32 to vector<16xf32>
      %add3A_373 = arith.addf %add3A_372, %exp3A_370 : vector<16xf32>
      %div3A_374 = arith.divf %bitcast3A_268, %add3A_373 : vector<16xf32>
      %swap3A_375 = arith.constant 224 : index
      %swap3A_376 = tpu.vector_load %arg10[%swap3A_375] {strides = array<i32>} : memref<256xf32, #tpu.memory_space<vmem>>, vector<16xf32>,
      tpu.vector_store %arg10[%swap3A_375], %div3A_374 {strides = array<i32>} : memref<256xf32, #tpu.memory_space<vmem>>, vector<16xf32>,
      %get3A_377 = arith.constant 0 : i32
      %get3A_378 = arith.index_cast %get3A_377 : i32 to index
      %get3A_379 = arith.constant 48 : index
      %get3A_380 = tpu.vector_load %arg8[%get3A_378, %get3A_379] {strides = array<i32>} : memref<3x64xi32, #tpu.memory_space<vmem>>, vector<16xi32>,
      %get3A_381 = arith.constant 1 : i32
      %get3A_382 = arith.index_cast %get3A_381 : i32 to index
      %get3A_383 = arith.constant 48 : index
      %get3A_384 = tpu.vector_load %arg8[%get3A_382, %get3A_383] {strides = array<i32>} : memref<3x64xi32, #tpu.memory_space<vmem>>, vector<16xi32>,
      %get3A_385 = arith.constant 2 : i32
      %get3A_386 = arith.index_cast %get3A_385 : i32 to index
      %get3A_387 = arith.constant 48 : index
      %get3A_388 = tpu.vector_load %arg8[%get3A_386, %get3A_387] {strides = array<i32>} : memref<3x64xi32, #tpu.memory_space<vmem>>, vector<16xi32>,
      %bitcast3A_389 = vector.bitcast %get3A_388 : vector<16xi32> to vector<16xf32>
      %add3A_390 = arith.constant 0 : i32
      %add3A_391 = vector.broadcast %add3A_390 : i32 to vector<16xi32>
      %add3A_392 = arith.addi %get3A_380, %add3A_391 : vector<16xi32>
      %gather3A_393 = tpu.vector_load_idx %arg7[%add3A_392] : memref<40000xi32, #tpu.memory_space<vmem>>[vector<16xi32>], vector<16xi32>,
      %add3A_394 = arith.constant 0 : i32
      %add3A_395 = vector.broadcast %add3A_394 : i32 to vector<16xi32>
      %add3A_396 = arith.addi %get3A_384, %add3A_395 : vector<16xi32>
      %gather3A_397 = tpu.vector_load_idx %arg7[%add3A_396] : memref<40000xi32, #tpu.memory_space<vmem>>[vector<16xi32>], vector<16xi32>,
      %and3A_398 = arith.constant -65536 : i32
      %and3A_399 = vector.broadcast %and3A_398 : i32 to vector<16xi32>
      %and3A_400 = arith.andi %gather3A_393, %and3A_399 : vector<16xi32>
      %bitcast3A_401 = vector.bitcast %and3A_400 : vector<16xi32> to vector<16xf32>
      %shift_left3A_402 = arith.constant 16 : i32
      %shift_left3A_403 = vector.broadcast %shift_left3A_402 : i32 to vector<16xi32>
      %shift_left3A_404 = arith.shli %gather3A_397, %shift_left3A_403 : vector<16xi32>
      %bitcast3A_405 = vector.bitcast %shift_left3A_404 : vector<16xi32> to vector<16xf32>
      %add3A_406 = arith.addf %bitcast3A_401, %bitcast3A_405 : vector<16xf32>
      %neg3A_407 = arith.constant 0.000000e+00 : f32
      %neg3A_408 = vector.broadcast %neg3A_407 : f32 to vector<16xf32>
      %neg3A_409 = arith.subf %neg3A_408, %add3A_406 : vector<16xf32>
      %exp3A_410 = math.exp %neg3A_409 : vector<16xf32>
      %add3A_411 = arith.constant 1.000000e+00 : f32
      %add3A_412 = vector.broadcast %add3A_411 : f32 to vector<16xf32>
      %add3A_413 = arith.addf %add3A_412, %exp3A_410 : vector<16xf32>
      %div3A_414 = arith.divf %bitcast3A_389, %add3A_413 : vector<16xf32>
      %swap3A_415 = arith.constant 48 : index
      %swap3A_416 = tpu.vector_load %arg10[%swap3A_415] {strides = array<i32>} : memref<256xf32, #tpu.memory_space<vmem>>, vector<16xf32>,
      tpu.vector_store %arg10[%swap3A_415], %div3A_414 {strides = array<i32>} : memref<256xf32, #tpu.memory_space<vmem>>, vector<16xf32>,
      %add3A_417 = arith.constant 10000 : i32
      %add3A_418 = vector.broadcast %add3A_417 : i32 to vector<16xi32>
      %add3A_419 = arith.addi %get3A_380, %add3A_418 : vector<16xi32>
      %gather3A_420 = tpu.vector_load_idx %arg7[%add3A_419] : memref<40000xi32, #tpu.memory_space<vmem>>[vector<16xi32>], vector<16xi32>,
      %add3A_421 = arith.constant 10000 : i32
      %add3A_422 = vector.broadcast %add3A_421 : i32 to vector<16xi32>
      %add3A_423 = arith.addi %get3A_384, %add3A_422 : vector<16xi32>
      %gather3A_424 = tpu.vector_load_idx %arg7[%add3A_423] : memref<40000xi32, #tpu.memory_space<vmem>>[vector<16xi32>], vector<16xi32>,
      %and3A_425 = arith.constant -65536 : i32
      %and3A_426 = vector.broadcast %and3A_425 : i32 to vector<16xi32>
      %and3A_427 = arith.andi %gather3A_420, %and3A_426 : vector<16xi32>
      %bitcast3A_428 = vector.bitcast %and3A_427 : vector<16xi32> to vector<16xf32>
      %shift_left3A_429 = arith.constant 16 : i32
      %shift_left3A_430 = vector.broadcast %shift_left3A_429 : i32 to vector<16xi32>
      %shift_left3A_431 = arith.shli %gather3A_424, %shift_left3A_430 : vector<16xi32>
      %bitcast3A_432 = vector.bitcast %shift_left3A_431 : vector<16xi32> to vector<16xf32>
      %add3A_433 = arith.addf %bitcast3A_428, %bitcast3A_432 : vector<16xf32>
      %neg3A_434 = arith.constant 0.000000e+00 : f32
      %neg3A_435 = vector.broadcast %neg3A_434 : f32 to vector<16xf32>
      %neg3A_436 = arith.subf %neg3A_435, %add3A_433 : vector<16xf32>
      %exp3A_437 = math.exp %neg3A_436 : vector<16xf32>
      %add3A_438 = arith.constant 1.000000e+00 : f32
      %add3A_439 = vector.broadcast %add3A_438 : f32 to vector<16xf32>
      %add3A_440 = arith.addf %add3A_439, %exp3A_437 : vector<16xf32>
      %div3A_441 = arith.divf %bitcast3A_389, %add3A_440 : vector<16xf32>
      %swap3A_442 = arith.constant 112 : index
      %swap3A_443 = tpu.vector_load %arg10[%swap3A_442] {strides = array<i32>} : memref<256xf32, #tpu.memory_space<vmem>>, vector<16xf32>,
      tpu.vector_store %arg10[%swap3A_442], %div3A_441 {strides = array<i32>} : memref<256xf32, #tpu.memory_space<vmem>>, vector<16xf32>,
      %add3A_444 = arith.constant 20000 : i32
      %add3A_445 = vector.broadcast %add3A_444 : i32 to vector<16xi32>
      %add3A_446 = arith.addi %get3A_380, %add3A_445 : vector<16xi32>
      %gather3A_447 = tpu.vector_load_idx %arg7[%add3A_446] : memref<40000xi32, #tpu.memory_space<vmem>>[vector<16xi32>], vector<16xi32>,
      %add3A_448 = arith.constant 20000 : i32
      %add3A_449 = vector.broadcast %add3A_448 : i32 to vector<16xi32>
      %add3A_450 = arith.addi %get3A_384, %add3A_449 : vector<16xi32>
      %gather3A_451 = tpu.vector_load_idx %arg7[%add3A_450] : memref<40000xi32, #tpu.memory_space<vmem>>[vector<16xi32>], vector<16xi32>,
      %and3A_452 = arith.constant -65536 : i32
      %and3A_453 = vector.broadcast %and3A_452 : i32 to vector<16xi32>
      %and3A_454 = arith.andi %gather3A_447, %and3A_453 : vector<16xi32>
      %bitcast3A_455 = vector.bitcast %and3A_454 : vector<16xi32> to vector<16xf32>
      %shift_left3A_456 = arith.constant 16 : i32
      %shift_left3A_457 = vector.broadcast %shift_left3A_456 : i32 to vector<16xi32>
      %shift_left3A_458 = arith.shli %gather3A_451, %shift_left3A_457 : vector<16xi32>
      %bitcast3A_459 = vector.bitcast %shift_left3A_458 : vector<16xi32> to vector<16xf32>
      %add3A_460 = arith.addf %bitcast3A_455, %bitcast3A_459 : vector<16xf32>
      %neg3A_461 = arith.constant 0.000000e+00 : f32
      %neg3A_462 = vector.broadcast %neg3A_461 : f32 to vector<16xf32>
      %neg3A_463 = arith.subf %neg3A_462, %add3A_460 : vector<16xf32>
      %exp3A_464 = math.exp %neg3A_463 : vector<16xf32>
      %add3A_465 = arith.constant 1.000000e+00 : f32
      %add3A_466 = vector.broadcast %add3A_465 : f32 to vector<16xf32>
      %add3A_467 = arith.addf %add3A_466, %exp3A_464 : vector<16xf32>
      %div3A_468 = arith.divf %bitcast3A_389, %add3A_467 : vector<16xf32>
      %swap3A_469 = arith.constant 176 : index
      %swap3A_470 = tpu.vector_load %arg10[%swap3A_469] {strides = array<i32>} : memref<256xf32, #tpu.memory_space<vmem>>, vector<16xf32>,
      tpu.vector_store %arg10[%swap3A_469], %div3A_468 {strides = array<i32>} : memref<256xf32, #tpu.memory_space<vmem>>, vector<16xf32>,
      %add3A_471 = arith.constant 30000 : i32
      %add3A_472 = vector.broadcast %add3A_471 : i32 to vector<16xi32>
      %add3A_473 = arith.addi %get3A_380, %add3A_472 : vector<16xi32>
      %gather3A_474 = tpu.vector_load_idx %arg7[%add3A_473] : memref<40000xi32, #tpu.memory_space<vmem>>[vector<16xi32>], vector<16xi32>,
      %add3A_475 = arith.constant 30000 : i32
      %add3A_476 = vector.broadcast %add3A_475 : i32 to vector<16xi32>
      %add3A_477 = arith.addi %get3A_384, %add3A_476 : vector<16xi32>
      %gather3A_478 = tpu.vector_load_idx %arg7[%add3A_477] : memref<40000xi32, #tpu.memory_space<vmem>>[vector<16xi32>], vector<16xi32>,
      %and3A_479 = arith.constant -65536 : i32
      %and3A_480 = vector.broadcast %and3A_479 : i32 to vector<16xi32>
      %and3A_481 = arith.andi %gather3A_474, %and3A_480 : vector<16xi32>
      %bitcast3A_482 = vector.bitcast %and3A_481 : vector<16xi32> to vector<16xf32>
      %shift_left3A_483 = arith.constant 16 : i32
      %shift_left3A_484 = vector.broadcast %shift_left3A_483 : i32 to vector<16xi32>
      %shift_left3A_485 = arith.shli %gather3A_478, %shift_left3A_484 : vector<16xi32>
      %bitcast3A_486 = vector.bitcast %shift_left3A_485 : vector<16xi32> to vector<16xf32>
      %add3A_487 = arith.addf %bitcast3A_482, %bitcast3A_486 : vector<16xf32>
      %neg3A_488 = arith.constant 0.000000e+00 : f32
      %neg3A_489 = vector.broadcast %neg3A_488 : f32 to vector<16xf32>
      %neg3A_490 = arith.subf %neg3A_489, %add3A_487 : vector<16xf32>
      %exp3A_491 = math.exp %neg3A_490 : vector<16xf32>
      %add3A_492 = arith.constant 1.000000e+00 : f32
      %add3A_493 = vector.broadcast %add3A_492 : f32 to vector<16xf32>
      %add3A_494 = arith.addf %add3A_493, %exp3A_491 : vector<16xf32>
      %div3A_495 = arith.divf %bitcast3A_389, %add3A_494 : vector<16xf32>
      %swap3A_496 = arith.constant 240 : index
      %swap3A_497 = tpu.vector_load %arg10[%swap3A_496] {strides = array<i32>} : memref<256xf32, #tpu.memory_space<vmem>>, vector<16xf32>,
      tpu.vector_store %arg10[%swap3A_496], %div3A_495 {strides = array<i32>} : memref<256xf32, #tpu.memory_space<vmem>>, vector<16xf32>,
      %dma_wait3A = arith.constant 1 : i32
      %dma_wait3A_498 = arith.constant 0 : i32
      %dma_wait3A_499 = tpu.memref_slice %arg8[%dma_wait3A, %dma_wait3A_498] : memref<3x64xi32, #tpu.memory_space<vmem>> -> memref<1x64xi32, #tpu.memory_space<vmem>>
      %dma_wait3A_500 = tpu.memref_squeeze %dma_wait3A_499 : memref<1x64xi32, #tpu.memory_space<vmem>> -> memref<64xi32, #tpu.memory_space<vmem>>
      %dma_wait3A_501 = arith.constant 0 : i32
      %dma_wait3A_502 = arith.constant 0 : i32
      %dma_wait3A_503 = tpu.memref_slice %arg4[%dma_wait3A_501, %dma_wait3A_502] : memref<10000x128xf32, #tpu.memory_space<hbm>> -> memref<10000x128xf32, #tpu.memory_space<hbm>>
      tpu.wait_indirect_dma semaphore(%arg12 : memref<!tpu.dma_semaphore, #tpu.memory_space<semaphore_mem>>) src(%dma_wait3A_503 : memref<10000x128xf32, #tpu.memory_space<hbm>>) dst(%arg9 : memref<64x128xf32, #tpu.memory_space<vmem>>)
      %scan3A_504 = arith.constant 0 : i32
      %scan3A_505 = arith.constant 0 : i32
      %scan3A_506 = arith.constant 8 : i32
      %scan3A_507 = arith.addi %scan3A_505, %scan3A_506 : i32
      %scan3A_508 = arith.constant 1 : i32
      scf.for %scan3A_510 = %scan3A_505 to %scan3A_507 step %scan3A_508  : i32 {
        %mul3A_511 = arith.constant 8 : i32
        %mul3A_512 = arith.muli %scan3A_510, %mul3A_511 : i32
        %broadcast_in_dim3A = arith.constant 0 : i32
        %broadcast_in_dim3A_513 = vector.broadcast %broadcast_in_dim3A : i32 to vector<16xi32>
        %add3A_514 = vector.broadcast %mul3A_512 : i32 to vector<16xi32>
        %add3A_515 = arith.addi %broadcast_in_dim3A_513, %add3A_514 : vector<16xi32>
        %add3A_516 = arith.constant 0 : i32
        %add3A_517 = vector.broadcast %add3A_516 : i32 to vector<16xi32>
        %add3A_518 = arith.addi %add3A_515, %add3A_517 : vector<16xi32>
        %gather3A_519 = tpu.vector_load_idx %arg10[%add3A_518] : memref<256xf32, #tpu.memory_space<vmem>>[vector<16xi32>], vector<16xf32>,
        %add3A_520 = arith.constant 64 : i32
        %add3A_521 = vector.broadcast %add3A_520 : i32 to vector<16xi32>
        %add3A_522 = arith.addi %add3A_515, %add3A_521 : vector<16xi32>
        %gather3A_523 = tpu.vector_load_idx %arg10[%add3A_522] : memref<256xf32, #tpu.memory_space<vmem>>[vector<16xi32>], vector<16xf32>,
        %add3A_524 = arith.constant 128 : i32
        %add3A_525 = vector.broadcast %add3A_524 : i32 to vector<16xi32>
        %add3A_526 = arith.addi %add3A_515, %add3A_525 : vector<16xi32>
        %gather3A_527 = tpu.vector_load_idx %arg10[%add3A_526] : memref<256xf32, #tpu.memory_space<vmem>>[vector<16xi32>], vector<16xf32>,
        %add3A_528 = arith.constant 192 : i32
        %add3A_529 = vector.broadcast %add3A_528 : i32 to vector<16xi32>
        %add3A_530 = arith.addi %add3A_515, %add3A_529 : vector<16xi32>
        %gather3A_531 = tpu.vector_load_idx %arg10[%add3A_530] : memref<256xf32, #tpu.memory_space<vmem>>[vector<16xi32>], vector<16xf32>,
        %broadcast_in_dim3A_532 = arith.constant 1 : i32
        %broadcast_in_dim3A_533 = vector.broadcast %broadcast_in_dim3A_532 : i32 to vector<16xi32>
        %add3A_534 = vector.broadcast %mul3A_512 : i32 to vector<16xi32>
        %add3A_535 = arith.addi %broadcast_in_dim3A_533, %add3A_534 : vector<16xi32>
        %add3A_536 = arith.constant 0 : i32
        %add3A_537 = vector.broadcast %add3A_536 : i32 to vector<16xi32>
        %add3A_538 = arith.addi %add3A_535, %add3A_537 : vector<16xi32>
        %gather3A_539 = tpu.vector_load_idx %arg10[%add3A_538] : memref<256xf32, #tpu.memory_space<vmem>>[vector<16xi32>], vector<16xf32>,
        %add3A_540 = arith.constant 64 : i32
        %add3A_541 = vector.broadcast %add3A_540 : i32 to vector<16xi32>
        %add3A_542 = arith.addi %add3A_535, %add3A_541 : vector<16xi32>
        %gather3A_543 = tpu.vector_load_idx %arg10[%add3A_542] : memref<256xf32, #tpu.memory_space<vmem>>[vector<16xi32>], vector<16xf32>,
        %add3A_544 = arith.constant 128 : i32
        %add3A_545 = vector.broadcast %add3A_544 : i32 to vector<16xi32>
        %add3A_546 = arith.addi %add3A_535, %add3A_545 : vector<16xi32>
        %gather3A_547 = tpu.vector_load_idx %arg10[%add3A_546] : memref<256xf32, #tpu.memory_space<vmem>>[vector<16xi32>], vector<16xf32>,
        %add3A_548 = arith.constant 192 : i32
        %add3A_549 = vector.broadcast %add3A_548 : i32 to vector<16xi32>
        %add3A_550 = arith.addi %add3A_535, %add3A_549 : vector<16xi32>
        %gather3A_551 = tpu.vector_load_idx %arg10[%add3A_550] : memref<256xf32, #tpu.memory_space<vmem>>[vector<16xi32>], vector<16xf32>,
        %broadcast_in_dim3A_552 = arith.constant 2 : i32
        %broadcast_in_dim3A_553 = vector.broadcast %broadcast_in_dim3A_552 : i32 to vector<16xi32>
        %add3A_554 = vector.broadcast %mul3A_512 : i32 to vector<16xi32>
        %add3A_555 = arith.addi %broadcast_in_dim3A_553, %add3A_554 : vector<16xi32>
        %add3A_556 = arith.constant 0 : i32
        %add3A_557 = vector.broadcast %add3A_556 : i32 to vector<16xi32>
        %add3A_558 = arith.addi %add3A_555, %add3A_557 : vector<16xi32>
        %gather3A_559 = tpu.vector_load_idx %arg10[%add3A_558] : memref<256xf32, #tpu.memory_space<vmem>>[vector<16xi32>], vector<16xf32>,
        %add3A_560 = arith.constant 64 : i32
        %add3A_561 = vector.broadcast %add3A_560 : i32 to vector<16xi32>
        %add3A_562 = arith.addi %add3A_555, %add3A_561 : vector<16xi32>
        %gather3A_563 = tpu.vector_load_idx %arg10[%add3A_562] : memref<256xf32, #tpu.memory_space<vmem>>[vector<16xi32>], vector<16xf32>,
        %add3A_564 = arith.constant 128 : i32
        %add3A_565 = vector.broadcast %add3A_564 : i32 to vector<16xi32>
        %add3A_566 = arith.addi %add3A_555, %add3A_565 : vector<16xi32>
        %gather3A_567 = tpu.vector_load_idx %arg10[%add3A_566] : memref<256xf32, #tpu.memory_space<vmem>>[vector<16xi32>], vector<16xf32>,
        %add3A_568 = arith.constant 192 : i32
        %add3A_569 = vector.broadcast %add3A_568 : i32 to vector<16xi32>
        %add3A_570 = arith.addi %add3A_555, %add3A_569 : vector<16xi32>
        %gather3A_571 = tpu.vector_load_idx %arg10[%add3A_570] : memref<256xf32, #tpu.memory_space<vmem>>[vector<16xi32>], vector<16xf32>,
        %broadcast_in_dim3A_572 = arith.constant 3 : i32
        %broadcast_in_dim3A_573 = vector.broadcast %broadcast_in_dim3A_572 : i32 to vector<16xi32>
        %add3A_574 = vector.broadcast %mul3A_512 : i32 to vector<16xi32>
        %add3A_575 = arith.addi %broadcast_in_dim3A_573, %add3A_574 : vector<16xi32>
        %add3A_576 = arith.constant 0 : i32
        %add3A_577 = vector.broadcast %add3A_576 : i32 to vector<16xi32>
        %add3A_578 = arith.addi %add3A_575, %add3A_577 : vector<16xi32>
        %gather3A_579 = tpu.vector_load_idx %arg10[%add3A_578] : memref<256xf32, #tpu.memory_space<vmem>>[vector<16xi32>], vector<16xf32>,
        %add3A_580 = arith.constant 64 : i32
        %add3A_581 = vector.broadcast %add3A_580 : i32 to vector<16xi32>
        %add3A_582 = arith.addi %add3A_575, %add3A_581 : vector<16xi32>
        %gather3A_583 = tpu.vector_load_idx %arg10[%add3A_582] : memref<256xf32, #tpu.memory_space<vmem>>[vector<16xi32>], vector<16xf32>,
        %add3A_584 = arith.constant 128 : i32
        %add3A_585 = vector.broadcast %add3A_584 : i32 to vector<16xi32>
        %add3A_586 = arith.addi %add3A_575, %add3A_585 : vector<16xi32>
        %gather3A_587 = tpu.vector_load_idx %arg10[%add3A_586] : memref<256xf32, #tpu.memory_space<vmem>>[vector<16xi32>], vector<16xf32>,
        %add3A_588 = arith.constant 192 : i32
        %add3A_589 = vector.broadcast %add3A_588 : i32 to vector<16xi32>
        %add3A_590 = arith.addi %add3A_575, %add3A_589 : vector<16xi32>
        %gather3A_591 = tpu.vector_load_idx %arg10[%add3A_590] : memref<256xf32, #tpu.memory_space<vmem>>[vector<16xi32>], vector<16xf32>,
        %broadcast_in_dim3A_592 = arith.constant 4 : i32
        %broadcast_in_dim3A_593 = vector.broadcast %broadcast_in_dim3A_592 : i32 to vector<16xi32>
        %add3A_594 = vector.broadcast %mul3A_512 : i32 to vector<16xi32>
        %add3A_595 = arith.addi %broadcast_in_dim3A_593, %add3A_594 : vector<16xi32>
        %add3A_596 = arith.constant 0 : i32
        %add3A_597 = vector.broadcast %add3A_596 : i32 to vector<16xi32>
        %add3A_598 = arith.addi %add3A_595, %add3A_597 : vector<16xi32>
        %gather3A_599 = tpu.vector_load_idx %arg10[%add3A_598] : memref<256xf32, #tpu.memory_space<vmem>>[vector<16xi32>], vector<16xf32>,
        %add3A_600 = arith.constant 64 : i32
        %add3A_601 = vector.broadcast %add3A_600 : i32 to vector<16xi32>
        %add3A_602 = arith.addi %add3A_595, %add3A_601 : vector<16xi32>
        %gather3A_603 = tpu.vector_load_idx %arg10[%add3A_602] : memref<256xf32, #tpu.memory_space<vmem>>[vector<16xi32>], vector<16xf32>,
        %add3A_604 = arith.constant 128 : i32
        %add3A_605 = vector.broadcast %add3A_604 : i32 to vector<16xi32>
        %add3A_606 = arith.addi %add3A_595, %add3A_605 : vector<16xi32>
        %gather3A_607 = tpu.vector_load_idx %arg10[%add3A_606] : memref<256xf32, #tpu.memory_space<vmem>>[vector<16xi32>], vector<16xf32>,
        %add3A_608 = arith.constant 192 : i32
        %add3A_609 = vector.broadcast %add3A_608 : i32 to vector<16xi32>
        %add3A_610 = arith.addi %add3A_595, %add3A_609 : vector<16xi32>
        %gather3A_611 = tpu.vector_load_idx %arg10[%add3A_610] : memref<256xf32, #tpu.memory_space<vmem>>[vector<16xi32>], vector<16xf32>,
        %broadcast_in_dim3A_612 = arith.constant 5 : i32
        %broadcast_in_dim3A_613 = vector.broadcast %broadcast_in_dim3A_612 : i32 to vector<16xi32>
        %add3A_614 = vector.broadcast %mul3A_512 : i32 to vector<16xi32>
        %add3A_615 = arith.addi %broadcast_in_dim3A_613, %add3A_614 : vector<16xi32>
        %add3A_616 = arith.constant 0 : i32
        %add3A_617 = vector.broadcast %add3A_616 : i32 to vector<16xi32>
        %add3A_618 = arith.addi %add3A_615, %add3A_617 : vector<16xi32>
        %gather3A_619 = tpu.vector_load_idx %arg10[%add3A_618] : memref<256xf32, #tpu.memory_space<vmem>>[vector<16xi32>], vector<16xf32>,
        %add3A_620 = arith.constant 64 : i32
        %add3A_621 = vector.broadcast %add3A_620 : i32 to vector<16xi32>
        %add3A_622 = arith.addi %add3A_615, %add3A_621 : vector<16xi32>
        %gather3A_623 = tpu.vector_load_idx %arg10[%add3A_622] : memref<256xf32, #tpu.memory_space<vmem>>[vector<16xi32>], vector<16xf32>,
        %add3A_624 = arith.constant 128 : i32
        %add3A_625 = vector.broadcast %add3A_624 : i32 to vector<16xi32>
        %add3A_626 = arith.addi %add3A_615, %add3A_625 : vector<16xi32>
        %gather3A_627 = tpu.vector_load_idx %arg10[%add3A_626] : memref<256xf32, #tpu.memory_space<vmem>>[vector<16xi32>], vector<16xf32>,
        %add3A_628 = arith.constant 192 : i32
        %add3A_629 = vector.broadcast %add3A_628 : i32 to vector<16xi32>
        %add3A_630 = arith.addi %add3A_615, %add3A_629 : vector<16xi32>
        %gather3A_631 = tpu.vector_load_idx %arg10[%add3A_630] : memref<256xf32, #tpu.memory_space<vmem>>[vector<16xi32>], vector<16xf32>,
        %broadcast_in_dim3A_632 = arith.constant 6 : i32
        %broadcast_in_dim3A_633 = vector.broadcast %broadcast_in_dim3A_632 : i32 to vector<16xi32>
        %add3A_634 = vector.broadcast %mul3A_512 : i32 to vector<16xi32>
        %add3A_635 = arith.addi %broadcast_in_dim3A_633, %add3A_634 : vector<16xi32>
        %add3A_636 = arith.constant 0 : i32
        %add3A_637 = vector.broadcast %add3A_636 : i32 to vector<16xi32>
        %add3A_638 = arith.addi %add3A_635, %add3A_637 : vector<16xi32>
        %gather3A_639 = tpu.vector_load_idx %arg10[%add3A_638] : memref<256xf32, #tpu.memory_space<vmem>>[vector<16xi32>], vector<16xf32>,
        %add3A_640 = arith.constant 64 : i32
        %add3A_641 = vector.broadcast %add3A_640 : i32 to vector<16xi32>
        %add3A_642 = arith.addi %add3A_635, %add3A_641 : vector<16xi32>
        %gather3A_643 = tpu.vector_load_idx %arg10[%add3A_642] : memref<256xf32, #tpu.memory_space<vmem>>[vector<16xi32>], vector<16xf32>,
        %add3A_644 = arith.constant 128 : i32
        %add3A_645 = vector.broadcast %add3A_644 : i32 to vector<16xi32>
        %add3A_646 = arith.addi %add3A_635, %add3A_645 : vector<16xi32>
        %gather3A_647 = tpu.vector_load_idx %arg10[%add3A_646] : memref<256xf32, #tpu.memory_space<vmem>>[vector<16xi32>], vector<16xf32>,
        %add3A_648 = arith.constant 192 : i32
        %add3A_649 = vector.broadcast %add3A_648 : i32 to vector<16xi32>
        %add3A_650 = arith.addi %add3A_635, %add3A_649 : vector<16xi32>
        %gather3A_651 = tpu.vector_load_idx %arg10[%add3A_650] : memref<256xf32, #tpu.memory_space<vmem>>[vector<16xi32>], vector<16xf32>,
        %broadcast_in_dim3A_652 = arith.constant 7 : i32
        %broadcast_in_dim3A_653 = vector.broadcast %broadcast_in_dim3A_652 : i32 to vector<16xi32>
        %add3A_654 = vector.broadcast %mul3A_512 : i32 to vector<16xi32>
        %add3A_655 = arith.addi %broadcast_in_dim3A_653, %add3A_654 : vector<16xi32>
        %add3A_656 = arith.constant 0 : i32
        %add3A_657 = vector.broadcast %add3A_656 : i32 to vector<16xi32>
        %add3A_658 = arith.addi %add3A_655, %add3A_657 : vector<16xi32>
        %gather3A_659 = tpu.vector_load_idx %arg10[%add3A_658] : memref<256xf32, #tpu.memory_space<vmem>>[vector<16xi32>], vector<16xf32>,
        %add3A_660 = arith.constant 64 : i32
        %add3A_661 = vector.broadcast %add3A_660 : i32 to vector<16xi32>
        %add3A_662 = arith.addi %add3A_655, %add3A_661 : vector<16xi32>
        %gather3A_663 = tpu.vector_load_idx %arg10[%add3A_662] : memref<256xf32, #tpu.memory_space<vmem>>[vector<16xi32>], vector<16xf32>,
        %add3A_664 = arith.constant 128 : i32
        %add3A_665 = vector.broadcast %add3A_664 : i32 to vector<16xi32>
        %add3A_666 = arith.addi %add3A_655, %add3A_665 : vector<16xi32>
        %gather3A_667 = tpu.vector_load_idx %arg10[%add3A_666] : memref<256xf32, #tpu.memory_space<vmem>>[vector<16xi32>], vector<16xf32>,
        %add3A_668 = arith.constant 192 : i32
        %add3A_669 = vector.broadcast %add3A_668 : i32 to vector<16xi32>
        %add3A_670 = arith.addi %add3A_655, %add3A_669 : vector<16xi32>
        %gather3A_671 = tpu.vector_load_idx %arg10[%add3A_670] : memref<256xf32, #tpu.memory_space<vmem>>[vector<16xi32>], vector<16xf32>,
        %add3A_672 = arith.constant 0 : i32
        %add3A_673 = arith.addi %mul3A_512, %add3A_672 : i32
        %get3A_674 = arith.index_cast %add3A_673 : i32 to index
        %get3A_675 = arith.constant 0 : index
        %get3A_676 = tpu.vector_load %arg9[%get3A_674, %get3A_675] {strides = array<i32>} : memref<64x128xf32, #tpu.memory_space<vmem>>, vector<16xf32>,
        %mul3A_677 = arith.mulf %get3A_676, %gather3A_519 : vector<16xf32>
        %swap3A_678 = arith.index_cast %add3A_673 : i32 to index
        %swap3A_679 = arith.constant 0 : index
        %swap3A_680 = tpu.vector_load %arg9[%swap3A_678, %swap3A_679] {strides = array<i32>} : memref<64x128xf32, #tpu.memory_space<vmem>>, vector<16xf32>,
        tpu.vector_store %arg9[%swap3A_678, %swap3A_679], %mul3A_677 {strides = array<i32>} : memref<64x128xf32, #tpu.memory_space<vmem>>, vector<16xf32>,
        %get3A_681 = arith.index_cast %add3A_673 : i32 to index
        %get3A_682 = arith.constant 16 : index
        %get3A_683 = tpu.vector_load %arg9[%get3A_681, %get3A_682] {strides = array<i32>} : memref<64x128xf32, #tpu.memory_space<vmem>>, vector<16xf32>,
        %mul3A_684 = arith.mulf %get3A_683, %gather3A_519 : vector<16xf32>
        %swap3A_685 = arith.index_cast %add3A_673 : i32 to index
        %swap3A_686 = arith.constant 16 : index
        %swap3A_687 = tpu.vector_load %arg9[%swap3A_685, %swap3A_686] {strides = array<i32>} : memref<64x128xf32, #tpu.memory_space<vmem>>, vector<16xf32>,
        tpu.vector_store %arg9[%swap3A_685, %swap3A_686], %mul3A_684 {strides = array<i32>} : memref<64x128xf32, #tpu.memory_space<vmem>>, vector<16xf32>,
        %get3A_688 = arith.index_cast %add3A_673 : i32 to index
        %get3A_689 = arith.constant 32 : index
        %get3A_690 = tpu.vector_load %arg9[%get3A_688, %get3A_689] {strides = array<i32>} : memref<64x128xf32, #tpu.memory_space<vmem>>, vector<16xf32>,
        %mul3A_691 = arith.mulf %get3A_690, %gather3A_523 : vector<16xf32>
        %swap3A_692 = arith.index_cast %add3A_673 : i32 to index
        %swap3A_693 = arith.constant 32 : index
        %swap3A_694 = tpu.vector_load %arg9[%swap3A_692, %swap3A_693] {strides = array<i32>} : memref<64x128xf32, #tpu.memory_space<vmem>>, vector<16xf32>,
        tpu.vector_store %arg9[%swap3A_692, %swap3A_693], %mul3A_691 {strides = array<i32>} : memref<64x128xf32, #tpu.memory_space<vmem>>, vector<16xf32>,
        %get3A_695 = arith.index_cast %add3A_673 : i32 to index
        %get3A_696 = arith.constant 48 : index
        %get3A_697 = tpu.vector_load %arg9[%get3A_695, %get3A_696] {strides = array<i32>} : memref<64x128xf32, #tpu.memory_space<vmem>>, vector<16xf32>,
        %mul3A_698 = arith.mulf %get3A_697, %gather3A_523 : vector<16xf32>
        %swap3A_699 = arith.index_cast %add3A_673 : i32 to index
        %swap3A_700 = arith.constant 48 : index
        %swap3A_701 = tpu.vector_load %arg9[%swap3A_699, %swap3A_700] {strides = array<i32>} : memref<64x128xf32, #tpu.memory_space<vmem>>, vector<16xf32>,
        tpu.vector_store %arg9[%swap3A_699, %swap3A_700], %mul3A_698 {strides = array<i32>} : memref<64x128xf32, #tpu.memory_space<vmem>>, vector<16xf32>,
        %get3A_702 = arith.index_cast %add3A_673 : i32 to index
        %get3A_703 = arith.constant 64 : index
        %get3A_704 = tpu.vector_load %arg9[%get3A_702, %get3A_703] {strides = array<i32>} : memref<64x128xf32, #tpu.memory_space<vmem>>, vector<16xf32>,
        %mul3A_705 = arith.mulf %get3A_704, %gather3A_527 : vector<16xf32>
        %swap3A_706 = arith.index_cast %add3A_673 : i32 to index
        %swap3A_707 = arith.constant 64 : index
        %swap3A_708 = tpu.vector_load %arg9[%swap3A_706, %swap3A_707] {strides = array<i32>} : memref<64x128xf32, #tpu.memory_space<vmem>>, vector<16xf32>,
        tpu.vector_store %arg9[%swap3A_706, %swap3A_707], %mul3A_705 {strides = array<i32>} : memref<64x128xf32, #tpu.memory_space<vmem>>, vector<16xf32>,
        %get3A_709 = arith.index_cast %add3A_673 : i32 to index
        %get3A_710 = arith.constant 80 : index
        %get3A_711 = tpu.vector_load %arg9[%get3A_709, %get3A_710] {strides = array<i32>} : memref<64x128xf32, #tpu.memory_space<vmem>>, vector<16xf32>,
        %mul3A_712 = arith.mulf %get3A_711, %gather3A_527 : vector<16xf32>
        %swap3A_713 = arith.index_cast %add3A_673 : i32 to index
        %swap3A_714 = arith.constant 80 : index
        %swap3A_715 = tpu.vector_load %arg9[%swap3A_713, %swap3A_714] {strides = array<i32>} : memref<64x128xf32, #tpu.memory_space<vmem>>, vector<16xf32>,
        tpu.vector_store %arg9[%swap3A_713, %swap3A_714], %mul3A_712 {strides = array<i32>} : memref<64x128xf32, #tpu.memory_space<vmem>>, vector<16xf32>,
        %get3A_716 = arith.index_cast %add3A_673 : i32 to index
        %get3A_717 = arith.constant 96 : index
        %get3A_718 = tpu.vector_load %arg9[%get3A_716, %get3A_717] {strides = array<i32>} : memref<64x128xf32, #tpu.memory_space<vmem>>, vector<16xf32>,
        %mul3A_719 = arith.mulf %get3A_718, %gather3A_531 : vector<16xf32>
        %swap3A_720 = arith.index_cast %add3A_673 : i32 to index
        %swap3A_721 = arith.constant 96 : index
        %swap3A_722 = tpu.vector_load %arg9[%swap3A_720, %swap3A_721] {strides = array<i32>} : memref<64x128xf32, #tpu.memory_space<vmem>>, vector<16xf32>,
        tpu.vector_store %arg9[%swap3A_720, %swap3A_721], %mul3A_719 {strides = array<i32>} : memref<64x128xf32, #tpu.memory_space<vmem>>, vector<16xf32>,
        %get3A_723 = arith.index_cast %add3A_673 : i32 to index
        %get3A_724 = arith.constant 112 : index
        %get3A_725 = tpu.vector_load %arg9[%get3A_723, %get3A_724] {strides = array<i32>} : memref<64x128xf32, #tpu.memory_space<vmem>>, vector<16xf32>,
        %mul3A_726 = arith.mulf %get3A_725, %gather3A_531 : vector<16xf32>
        %swap3A_727 = arith.index_cast %add3A_673 : i32 to index
        %swap3A_728 = arith.constant 112 : index
        %swap3A_729 = tpu.vector_load %arg9[%swap3A_727, %swap3A_728] {strides = array<i32>} : memref<64x128xf32, #tpu.memory_space<vmem>>, vector<16xf32>,
        tpu.vector_store %arg9[%swap3A_727, %swap3A_728], %mul3A_726 {strides = array<i32>} : memref<64x128xf32, #tpu.memory_space<vmem>>, vector<16xf32>,
        %add3A_730 = arith.constant 1 : i32
        %add3A_731 = arith.addi %mul3A_512, %add3A_730 : i32
        %get3A_732 = arith.index_cast %add3A_731 : i32 to index
        %get3A_733 = arith.constant 0 : index
        %get3A_734 = tpu.vector_load %arg9[%get3A_732, %get3A_733] {strides = array<i32>} : memref<64x128xf32, #tpu.memory_space<vmem>>, vector<16xf32>,
        %mul3A_735 = arith.mulf %get3A_734, %gather3A_539 : vector<16xf32>
        %swap3A_736 = arith.index_cast %add3A_731 : i32 to index
        %swap3A_737 = arith.constant 0 : index
        %swap3A_738 = tpu.vector_load %arg9[%swap3A_736, %swap3A_737] {strides = array<i32>} : memref<64x128xf32, #tpu.memory_space<vmem>>, vector<16xf32>,
        tpu.vector_store %arg9[%swap3A_736, %swap3A_737], %mul3A_735 {strides = array<i32>} : memref<64x128xf32, #tpu.memory_space<vmem>>, vector<16xf32>,
        %get3A_739 = arith.index_cast %add3A_731 : i32 to index
        %get3A_740 = arith.constant 16 : index
        %get3A_741 = tpu.vector_load %arg9[%get3A_739, %get3A_740] {strides = array<i32>} : memref<64x128xf32, #tpu.memory_space<vmem>>, vector<16xf32>,
        %mul3A_742 = arith.mulf %get3A_741, %gather3A_539 : vector<16xf32>
        %swap3A_743 = arith.index_cast %add3A_731 : i32 to index
        %swap3A_744 = arith.constant 16 : index
        %swap3A_745 = tpu.vector_load %arg9[%swap3A_743, %swap3A_744] {strides = array<i32>} : memref<64x128xf32, #tpu.memory_space<vmem>>, vector<16xf32>,
        tpu.vector_store %arg9[%swap3A_743, %swap3A_744], %mul3A_742 {strides = array<i32>} : memref<64x128xf32, #tpu.memory_space<vmem>>, vector<16xf32>,
        %get3A_746 = arith.index_cast %add3A_731 : i32 to index
        %get3A_747 = arith.constant 32 : index
        %get3A_748 = tpu.vector_load %arg9[%get3A_746, %get3A_747] {strides = array<i32>} : memref<64x128xf32, #tpu.memory_space<vmem>>, vector<16xf32>,
        %mul3A_749 = arith.mulf %get3A_748, %gather3A_543 : vector<16xf32>
        %swap3A_750 = arith.index_cast %add3A_731 : i32 to index
        %swap3A_751 = arith.constant 32 : index
        %swap3A_752 = tpu.vector_load %arg9[%swap3A_750, %swap3A_751] {strides = array<i32>} : memref<64x128xf32, #tpu.memory_space<vmem>>, vector<16xf32>,
        tpu.vector_store %arg9[%swap3A_750, %swap3A_751], %mul3A_749 {strides = array<i32>} : memref<64x128xf32, #tpu.memory_space<vmem>>, vector<16xf32>,
        %get3A_753 = arith.index_cast %add3A_731 : i32 to index
        %get3A_754 = arith.constant 48 : index
        %get3A_755 = tpu.vector_load %arg9[%get3A_753, %get3A_754] {strides = array<i32>} : memref<64x128xf32, #tpu.memory_space<vmem>>, vector<16xf32>,
        %mul3A_756 = arith.mulf %get3A_755, %gather3A_543 : vector<16xf32>
        %swap3A_757 = arith.index_cast %add3A_731 : i32 to index
        %swap3A_758 = arith.constant 48 : index
        %swap3A_759 = tpu.vector_load %arg9[%swap3A_757, %swap3A_758] {strides = array<i32>} : memref<64x128xf32, #tpu.memory_space<vmem>>, vector<16xf32>,
        tpu.vector_store %arg9[%swap3A_757, %swap3A_758], %mul3A_756 {strides = array<i32>} : memref<64x128xf32, #tpu.memory_space<vmem>>, vector<16xf32>,
        %get3A_760 = arith.index_cast %add3A_731 : i32 to index
        %get3A_761 = arith.constant 64 : index
        %get3A_762 = tpu.vector_load %arg9[%get3A_760, %get3A_761] {strides = array<i32>} : memref<64x128xf32, #tpu.memory_space<vmem>>, vector<16xf32>,
        %mul3A_763 = arith.mulf %get3A_762, %gather3A_547 : vector<16xf32>
        %swap3A_764 = arith.index_cast %add3A_731 : i32 to index
        %swap3A_765 = arith.constant 64 : index
        %swap3A_766 = tpu.vector_load %arg9[%swap3A_764, %swap3A_765] {strides = array<i32>} : memref<64x128xf32, #tpu.memory_space<vmem>>, vector<16xf32>,
        tpu.vector_store %arg9[%swap3A_764, %swap3A_765], %mul3A_763 {strides = array<i32>} : memref<64x128xf32, #tpu.memory_space<vmem>>, vector<16xf32>,
        %get3A_767 = arith.index_cast %add3A_731 : i32 to index
        %get3A_768 = arith.constant 80 : index
        %get3A_769 = tpu.vector_load %arg9[%get3A_767, %get3A_768] {strides = array<i32>} : memref<64x128xf32, #tpu.memory_space<vmem>>, vector<16xf32>,
        %mul3A_770 = arith.mulf %get3A_769, %gather3A_547 : vector<16xf32>
        %swap3A_771 = arith.index_cast %add3A_731 : i32 to index
        %swap3A_772 = arith.constant 80 : index
        %swap3A_773 = tpu.vector_load %arg9[%swap3A_771, %swap3A_772] {strides = array<i32>} : memref<64x128xf32, #tpu.memory_space<vmem>>, vector<16xf32>,
        tpu.vector_store %arg9[%swap3A_771, %swap3A_772], %mul3A_770 {strides = array<i32>} : memref<64x128xf32, #tpu.memory_space<vmem>>, vector<16xf32>,
        %get3A_774 = arith.index_cast %add3A_731 : i32 to index
        %get3A_775 = arith.constant 96 : index
        %get3A_776 = tpu.vector_load %arg9[%get3A_774, %get3A_775] {strides = array<i32>} : memref<64x128xf32, #tpu.memory_space<vmem>>, vector<16xf32>,
        %mul3A_777 = arith.mulf %get3A_776, %gather3A_551 : vector<16xf32>
        %swap3A_778 = arith.index_cast %add3A_731 : i32 to index
        %swap3A_779 = arith.constant 96 : index
        %swap3A_780 = tpu.vector_load %arg9[%swap3A_778, %swap3A_779] {strides = array<i32>} : memref<64x128xf32, #tpu.memory_space<vmem>>, vector<16xf32>,
        tpu.vector_store %arg9[%swap3A_778, %swap3A_779], %mul3A_777 {strides = array<i32>} : memref<64x128xf32, #tpu.memory_space<vmem>>, vector<16xf32>,
        %get3A_781 = arith.index_cast %add3A_731 : i32 to index
        %get3A_782 = arith.constant 112 : index
        %get3A_783 = tpu.vector_load %arg9[%get3A_781, %get3A_782] {strides = array<i32>} : memref<64x128xf32, #tpu.memory_space<vmem>>, vector<16xf32>,
        %mul3A_784 = arith.mulf %get3A_783, %gather3A_551 : vector<16xf32>
        %swap3A_785 = arith.index_cast %add3A_731 : i32 to index
        %swap3A_786 = arith.constant 112 : index
        %swap3A_787 = tpu.vector_load %arg9[%swap3A_785, %swap3A_786] {strides = array<i32>} : memref<64x128xf32, #tpu.memory_space<vmem>>, vector<16xf32>,
        tpu.vector_store %arg9[%swap3A_785, %swap3A_786], %mul3A_784 {strides = array<i32>} : memref<64x128xf32, #tpu.memory_space<vmem>>, vector<16xf32>,
        %add3A_788 = arith.constant 2 : i32
        %add3A_789 = arith.addi %mul3A_512, %add3A_788 : i32
        %get3A_790 = arith.index_cast %add3A_789 : i32 to index
        %get3A_791 = arith.constant 0 : index
        %get3A_792 = tpu.vector_load %arg9[%get3A_790, %get3A_791] {strides = array<i32>} : memref<64x128xf32, #tpu.memory_space<vmem>>, vector<16xf32>,
        %mul3A_793 = arith.mulf %get3A_792, %gather3A_559 : vector<16xf32>
        %swap3A_794 = arith.index_cast %add3A_789 : i32 to index
        %swap3A_795 = arith.constant 0 : index
        %swap3A_796 = tpu.vector_load %arg9[%swap3A_794, %swap3A_795] {strides = array<i32>} : memref<64x128xf32, #tpu.memory_space<vmem>>, vector<16xf32>,
        tpu.vector_store %arg9[%swap3A_794, %swap3A_795], %mul3A_793 {strides = array<i32>} : memref<64x128xf32, #tpu.memory_space<vmem>>, vector<16xf32>,
        %get3A_797 = arith.index_cast %add3A_789 : i32 to index
        %get3A_798 = arith.constant 16 : index
        %get3A_799 = tpu.vector_load %arg9[%get3A_797, %get3A_798] {strides = array<i32>} : memref<64x128xf32, #tpu.memory_space<vmem>>, vector<16xf32>,
        %mul3A_800 = arith.mulf %get3A_799, %gather3A_559 : vector<16xf32>
        %swap3A_801 = arith.index_cast %add3A_789 : i32 to index
        %swap3A_802 = arith.constant 16 : index
        %swap3A_803 = tpu.vector_load %arg9[%swap3A_801, %swap3A_802] {strides = array<i32>} : memref<64x128xf32, #tpu.memory_space<vmem>>, vector<16xf32>,
        tpu.vector_store %arg9[%swap3A_801, %swap3A_802], %mul3A_800 {strides = array<i32>} : memref<64x128xf32, #tpu.memory_space<vmem>>, vector<16xf32>,
        %get3A_804 = arith.index_cast %add3A_789 : i32 to index
        %get3A_805 = arith.constant 32 : index
        %get3A_806 = tpu.vector_load %arg9[%get3A_804, %get3A_805] {strides = array<i32>} : memref<64x128xf32, #tpu.memory_space<vmem>>, vector<16xf32>,
        %mul3A_807 = arith.mulf %get3A_806, %gather3A_563 : vector<16xf32>
        %swap3A_808 = arith.index_cast %add3A_789 : i32 to index
        %swap3A_809 = arith.constant 32 : index
        %swap3A_810 = tpu.vector_load %arg9[%swap3A_808, %swap3A_809] {strides = array<i32>} : memref<64x128xf32, #tpu.memory_space<vmem>>, vector<16xf32>,
        tpu.vector_store %arg9[%swap3A_808, %swap3A_809], %mul3A_807 {strides = array<i32>} : memref<64x128xf32, #tpu.memory_space<vmem>>, vector<16xf32>,
        %get3A_811 = arith.index_cast %add3A_789 : i32 to index
        %get3A_812 = arith.constant 48 : index
        %get3A_813 = tpu.vector_load %arg9[%get3A_811, %get3A_812] {strides = array<i32>} : memref<64x128xf32, #tpu.memory_space<vmem>>, vector<16xf32>,
        %mul3A_814 = arith.mulf %get3A_813, %gather3A_563 : vector<16xf32>
        %swap3A_815 = arith.index_cast %add3A_789 : i32 to index
        %swap3A_816 = arith.constant 48 : index
        %swap3A_817 = tpu.vector_load %arg9[%swap3A_815, %swap3A_816] {strides = array<i32>} : memref<64x128xf32, #tpu.memory_space<vmem>>, vector<16xf32>,
        tpu.vector_store %arg9[%swap3A_815, %swap3A_816], %mul3A_814 {strides = array<i32>} : memref<64x128xf32, #tpu.memory_space<vmem>>, vector<16xf32>,
        %get3A_818 = arith.index_cast %add3A_789 : i32 to index
        %get3A_819 = arith.constant 64 : index
        %get3A_820 = tpu.vector_load %arg9[%get3A_818, %get3A_819] {strides = array<i32>} : memref<64x128xf32, #tpu.memory_space<vmem>>, vector<16xf32>,
        %mul3A_821 = arith.mulf %get3A_820, %gather3A_567 : vector<16xf32>
        %swap3A_822 = arith.index_cast %add3A_789 : i32 to index
        %swap3A_823 = arith.constant 64 : index
        %swap3A_824 = tpu.vector_load %arg9[%swap3A_822, %swap3A_823] {strides = array<i32>} : memref<64x128xf32, #tpu.memory_space<vmem>>, vector<16xf32>,
        tpu.vector_store %arg9[%swap3A_822, %swap3A_823], %mul3A_821 {strides = array<i32>} : memref<64x128xf32, #tpu.memory_space<vmem>>, vector<16xf32>,
        %get3A_825 = arith.index_cast %add3A_789 : i32 to index
        %get3A_826 = arith.constant 80 : index
        %get3A_827 = tpu.vector_load %arg9[%get3A_825, %get3A_826] {strides = array<i32>} : memref<64x128xf32, #tpu.memory_space<vmem>>, vector<16xf32>,
        %mul3A_828 = arith.mulf %get3A_827, %gather3A_567 : vector<16xf32>
        %swap3A_829 = arith.index_cast %add3A_789 : i32 to index
        %swap3A_830 = arith.constant 80 : index
        %swap3A_831 = tpu.vector_load %arg9[%swap3A_829, %swap3A_830] {strides = array<i32>} : memref<64x128xf32, #tpu.memory_space<vmem>>, vector<16xf32>,
        tpu.vector_store %arg9[%swap3A_829, %swap3A_830], %mul3A_828 {strides = array<i32>} : memref<64x128xf32, #tpu.memory_space<vmem>>, vector<16xf32>,
        %get3A_832 = arith.index_cast %add3A_789 : i32 to index
        %get3A_833 = arith.constant 96 : index
        %get3A_834 = tpu.vector_load %arg9[%get3A_832, %get3A_833] {strides = array<i32>} : memref<64x128xf32, #tpu.memory_space<vmem>>, vector<16xf32>,
        %mul3A_835 = arith.mulf %get3A_834, %gather3A_571 : vector<16xf32>
        %swap3A_836 = arith.index_cast %add3A_789 : i32 to index
        %swap3A_837 = arith.constant 96 : index
        %swap3A_838 = tpu.vector_load %arg9[%swap3A_836, %swap3A_837] {strides = array<i32>} : memref<64x128xf32, #tpu.memory_space<vmem>>, vector<16xf32>,
        tpu.vector_store %arg9[%swap3A_836, %swap3A_837], %mul3A_835 {strides = array<i32>} : memref<64x128xf32, #tpu.memory_space<vmem>>, vector<16xf32>,
        %get3A_839 = arith.index_cast %add3A_789 : i32 to index
        %get3A_840 = arith.constant 112 : index
        %get3A_841 = tpu.vector_load %arg9[%get3A_839, %get3A_840] {strides = array<i32>} : memref<64x128xf32, #tpu.memory_space<vmem>>, vector<16xf32>,
        %mul3A_842 = arith.mulf %get3A_841, %gather3A_571 : vector<16xf32>
        %swap3A_843 = arith.index_cast %add3A_789 : i32 to index
        %swap3A_844 = arith.constant 112 : index
        %swap3A_845 = tpu.vector_load %arg9[%swap3A_843, %swap3A_844] {strides = array<i32>} : memref<64x128xf32, #tpu.memory_space<vmem>>, vector<16xf32>,
        tpu.vector_store %arg9[%swap3A_843, %swap3A_844], %mul3A_842 {strides = array<i32>} : memref<64x128xf32, #tpu.memory_space<vmem>>, vector<16xf32>,
        %add3A_846 = arith.constant 3 : i32
        %add3A_847 = arith.addi %mul3A_512, %add3A_846 : i32
        %get3A_848 = arith.index_cast %add3A_847 : i32 to index
        %get3A_849 = arith.constant 0 : index
        %get3A_850 = tpu.vector_load %arg9[%get3A_848, %get3A_849] {strides = array<i32>} : memref<64x128xf32, #tpu.memory_space<vmem>>, vector<16xf32>,
        %mul3A_851 = arith.mulf %get3A_850, %gather3A_579 : vector<16xf32>
        %swap3A_852 = arith.index_cast %add3A_847 : i32 to index
        %swap3A_853 = arith.constant 0 : index
        %swap3A_854 = tpu.vector_load %arg9[%swap3A_852, %swap3A_853] {strides = array<i32>} : memref<64x128xf32, #tpu.memory_space<vmem>>, vector<16xf32>,
        tpu.vector_store %arg9[%swap3A_852, %swap3A_853], %mul3A_851 {strides = array<i32>} : memref<64x128xf32, #tpu.memory_space<vmem>>, vector<16xf32>,
        %get3A_855 = arith.index_cast %add3A_847 : i32 to index
        %get3A_856 = arith.constant 16 : index
        %get3A_857 = tpu.vector_load %arg9[%get3A_855, %get3A_856] {strides = array<i32>} : memref<64x128xf32, #tpu.memory_space<vmem>>, vector<16xf32>,
        %mul3A_858 = arith.mulf %get3A_857, %gather3A_579 : vector<16xf32>
        %swap3A_859 = arith.index_cast %add3A_847 : i32 to index
        %swap3A_860 = arith.constant 16 : index
        %swap3A_861 = tpu.vector_load %arg9[%swap3A_859, %swap3A_860] {strides = array<i32>} : memref<64x128xf32, #tpu.memory_space<vmem>>, vector<16xf32>,
        tpu.vector_store %arg9[%swap3A_859, %swap3A_860], %mul3A_858 {strides = array<i32>} : memref<64x128xf32, #tpu.memory_space<vmem>>, vector<16xf32>,
        %get3A_862 = arith.index_cast %add3A_847 : i32 to index
        %get3A_863 = arith.constant 32 : index
        %get3A_864 = tpu.vector_load %arg9[%get3A_862, %get3A_863] {strides = array<i32>} : memref<64x128xf32, #tpu.memory_space<vmem>>, vector<16xf32>,
        %mul3A_865 = arith.mulf %get3A_864, %gather3A_583 : vector<16xf32>
        %swap3A_866 = arith.index_cast %add3A_847 : i32 to index
        %swap3A_867 = arith.constant 32 : index
        %swap3A_868 = tpu.vector_load %arg9[%swap3A_866, %swap3A_867] {strides = array<i32>} : memref<64x128xf32, #tpu.memory_space<vmem>>, vector<16xf32>,
        tpu.vector_store %arg9[%swap3A_866, %swap3A_867], %mul3A_865 {strides = array<i32>} : memref<64x128xf32, #tpu.memory_space<vmem>>, vector<16xf32>,
        %get3A_869 = arith.index_cast %add3A_847 : i32 to index
        %get3A_870 = arith.constant 48 : index
        %get3A_871 = tpu.vector_load %arg9[%get3A_869, %get3A_870] {strides = array<i32>} : memref<64x128xf32, #tpu.memory_space<vmem>>, vector<16xf32>,
        %mul3A_872 = arith.mulf %get3A_871, %gather3A_583 : vector<16xf32>
        %swap3A_873 = arith.index_cast %add3A_847 : i32 to index
        %swap3A_874 = arith.constant 48 : index
        %swap3A_875 = tpu.vector_load %arg9[%swap3A_873, %swap3A_874] {strides = array<i32>} : memref<64x128xf32, #tpu.memory_space<vmem>>, vector<16xf32>,
        tpu.vector_store %arg9[%swap3A_873, %swap3A_874], %mul3A_872 {strides = array<i32>} : memref<64x128xf32, #tpu.memory_space<vmem>>, vector<16xf32>,
        %get3A_876 = arith.index_cast %add3A_847 : i32 to index
        %get3A_877 = arith.constant 64 : index
        %get3A_878 = tpu.vector_load %arg9[%get3A_876, %get3A_877] {strides = array<i32>} : memref<64x128xf32, #tpu.memory_space<vmem>>, vector<16xf32>,
        %mul3A_879 = arith.mulf %get3A_878, %gather3A_587 : vector<16xf32>
        %swap3A_880 = arith.index_cast %add3A_847 : i32 to index
        %swap3A_881 = arith.constant 64 : index
        %swap3A_882 = tpu.vector_load %arg9[%swap3A_880, %swap3A_881] {strides = array<i32>} : memref<64x128xf32, #tpu.memory_space<vmem>>, vector<16xf32>,
        tpu.vector_store %arg9[%swap3A_880, %swap3A_881], %mul3A_879 {strides = array<i32>} : memref<64x128xf32, #tpu.memory_space<vmem>>, vector<16xf32>,
        %get3A_883 = arith.index_cast %add3A_847 : i32 to index
        %get3A_884 = arith.constant 80 : index
        %get3A_885 = tpu.vector_load %arg9[%get3A_883, %get3A_884] {strides = array<i32>} : memref<64x128xf32, #tpu.memory_space<vmem>>, vector<16xf32>,
        %mul3A_886 = arith.mulf %get3A_885, %gather3A_587 : vector<16xf32>
        %swap3A_887 = arith.index_cast %add3A_847 : i32 to index
        %swap3A_888 = arith.constant 80 : index
        %swap3A_889 = tpu.vector_load %arg9[%swap3A_887, %swap3A_888] {strides = array<i32>} : memref<64x128xf32, #tpu.memory_space<vmem>>, vector<16xf32>,
        tpu.vector_store %arg9[%swap3A_887, %swap3A_888], %mul3A_886 {strides = array<i32>} : memref<64x128xf32, #tpu.memory_space<vmem>>, vector<16xf32>,
        %get3A_890 = arith.index_cast %add3A_847 : i32 to index
        %get3A_891 = arith.constant 96 : index
        %get3A_892 = tpu.vector_load %arg9[%get3A_890, %get3A_891] {strides = array<i32>} : memref<64x128xf32, #tpu.memory_space<vmem>>, vector<16xf32>,
        %mul3A_893 = arith.mulf %get3A_892, %gather3A_591 : vector<16xf32>
        %swap3A_894 = arith.index_cast %add3A_847 : i32 to index
        %swap3A_895 = arith.constant 96 : index
        %swap3A_896 = tpu.vector_load %arg9[%swap3A_894, %swap3A_895] {strides = array<i32>} : memref<64x128xf32, #tpu.memory_space<vmem>>, vector<16xf32>,
        tpu.vector_store %arg9[%swap3A_894, %swap3A_895], %mul3A_893 {strides = array<i32>} : memref<64x128xf32, #tpu.memory_space<vmem>>, vector<16xf32>,
        %get3A_897 = arith.index_cast %add3A_847 : i32 to index
        %get3A_898 = arith.constant 112 : index
        %get3A_899 = tpu.vector_load %arg9[%get3A_897, %get3A_898] {strides = array<i32>} : memref<64x128xf32, #tpu.memory_space<vmem>>, vector<16xf32>,
        %mul3A_900 = arith.mulf %get3A_899, %gather3A_591 : vector<16xf32>
        %swap3A_901 = arith.index_cast %add3A_847 : i32 to index
        %swap3A_902 = arith.constant 112 : index
        %swap3A_903 = tpu.vector_load %arg9[%swap3A_901, %swap3A_902] {strides = array<i32>} : memref<64x128xf32, #tpu.memory_space<vmem>>, vector<16xf32>,
        tpu.vector_store %arg9[%swap3A_901, %swap3A_902], %mul3A_900 {strides = array<i32>} : memref<64x128xf32, #tpu.memory_space<vmem>>, vector<16xf32>,
        %add3A_904 = arith.constant 4 : i32
        %add3A_905 = arith.addi %mul3A_512, %add3A_904 : i32
        %get3A_906 = arith.index_cast %add3A_905 : i32 to index
        %get3A_907 = arith.constant 0 : index
        %get3A_908 = tpu.vector_load %arg9[%get3A_906, %get3A_907] {strides = array<i32>} : memref<64x128xf32, #tpu.memory_space<vmem>>, vector<16xf32>,
        %mul3A_909 = arith.mulf %get3A_908, %gather3A_599 : vector<16xf32>
        %swap3A_910 = arith.index_cast %add3A_905 : i32 to index
        %swap3A_911 = arith.constant 0 : index
        %swap3A_912 = tpu.vector_load %arg9[%swap3A_910, %swap3A_911] {strides = array<i32>} : memref<64x128xf32, #tpu.memory_space<vmem>>, vector<16xf32>,
        tpu.vector_store %arg9[%swap3A_910, %swap3A_911], %mul3A_909 {strides = array<i32>} : memref<64x128xf32, #tpu.memory_space<vmem>>, vector<16xf32>,
        %get3A_913 = arith.index_cast %add3A_905 : i32 to index
        %get3A_914 = arith.constant 16 : index
        %get3A_915 = tpu.vector_load %arg9[%get3A_913, %get3A_914] {strides = array<i32>} : memref<64x128xf32, #tpu.memory_space<vmem>>, vector<16xf32>,
        %mul3A_916 = arith.mulf %get3A_915, %gather3A_599 : vector<16xf32>
        %swap3A_917 = arith.index_cast %add3A_905 : i32 to index
        %swap3A_918 = arith.constant 16 : index
        %swap3A_919 = tpu.vector_load %arg9[%swap3A_917, %swap3A_918] {strides = array<i32>} : memref<64x128xf32, #tpu.memory_space<vmem>>, vector<16xf32>,
        tpu.vector_store %arg9[%swap3A_917, %swap3A_918], %mul3A_916 {strides = array<i32>} : memref<64x128xf32, #tpu.memory_space<vmem>>, vector<16xf32>,
        %get3A_920 = arith.index_cast %add3A_905 : i32 to index
        %get3A_921 = arith.constant 32 : index
        %get3A_922 = tpu.vector_load %arg9[%get3A_920, %get3A_921] {strides = array<i32>} : memref<64x128xf32, #tpu.memory_space<vmem>>, vector<16xf32>,
        %mul3A_923 = arith.mulf %get3A_922, %gather3A_603 : vector<16xf32>
        %swap3A_924 = arith.index_cast %add3A_905 : i32 to index
        %swap3A_925 = arith.constant 32 : index
        %swap3A_926 = tpu.vector_load %arg9[%swap3A_924, %swap3A_925] {strides = array<i32>} : memref<64x128xf32, #tpu.memory_space<vmem>>, vector<16xf32>,
        tpu.vector_store %arg9[%swap3A_924, %swap3A_925], %mul3A_923 {strides = array<i32>} : memref<64x128xf32, #tpu.memory_space<vmem>>, vector<16xf32>,
        %get3A_927 = arith.index_cast %add3A_905 : i32 to index
        %get3A_928 = arith.constant 48 : index
        %get3A_929 = tpu.vector_load %arg9[%get3A_927, %get3A_928] {strides = array<i32>} : memref<64x128xf32, #tpu.memory_space<vmem>>, vector<16xf32>,
        %mul3A_930 = arith.mulf %get3A_929, %gather3A_603 : vector<16xf32>
        %swap3A_931 = arith.index_cast %add3A_905 : i32 to index
        %swap3A_932 = arith.constant 48 : index
        %swap3A_933 = tpu.vector_load %arg9[%swap3A_931, %swap3A_932] {strides = array<i32>} : memref<64x128xf32, #tpu.memory_space<vmem>>, vector<16xf32>,
        tpu.vector_store %arg9[%swap3A_931, %swap3A_932], %mul3A_930 {strides = array<i32>} : memref<64x128xf32, #tpu.memory_space<vmem>>, vector<16xf32>,
        %get3A_934 = arith.index_cast %add3A_905 : i32 to index
        %get3A_935 = arith.constant 64 : index
        %get3A_936 = tpu.vector_load %arg9[%get3A_934, %get3A_935] {strides = array<i32>} : memref<64x128xf32, #tpu.memory_space<vmem>>, vector<16xf32>,
        %mul3A_937 = arith.mulf %get3A_936, %gather3A_607 : vector<16xf32>
        %swap3A_938 = arith.index_cast %add3A_905 : i32 to index
        %swap3A_939 = arith.constant 64 : index
        %swap3A_940 = tpu.vector_load %arg9[%swap3A_938, %swap3A_939] {strides = array<i32>} : memref<64x128xf32, #tpu.memory_space<vmem>>, vector<16xf32>,
        tpu.vector_store %arg9[%swap3A_938, %swap3A_939], %mul3A_937 {strides = array<i32>} : memref<64x128xf32, #tpu.memory_space<vmem>>, vector<16xf32>,
        %get3A_941 = arith.index_cast %add3A_905 : i32 to index
        %get3A_942 = arith.constant 80 : index
        %get3A_943 = tpu.vector_load %arg9[%get3A_941, %get3A_942] {strides = array<i32>} : memref<64x128xf32, #tpu.memory_space<vmem>>, vector<16xf32>,
        %mul3A_944 = arith.mulf %get3A_943, %gather3A_607 : vector<16xf32>
        %swap3A_945 = arith.index_cast %add3A_905 : i32 to index
        %swap3A_946 = arith.constant 80 : index
        %swap3A_947 = tpu.vector_load %arg9[%swap3A_945, %swap3A_946] {strides = array<i32>} : memref<64x128xf32, #tpu.memory_space<vmem>>, vector<16xf32>,
        tpu.vector_store %arg9[%swap3A_945, %swap3A_946], %mul3A_944 {strides = array<i32>} : memref<64x128xf32, #tpu.memory_space<vmem>>, vector<16xf32>,
        %get3A_948 = arith.index_cast %add3A_905 : i32 to index
        %get3A_949 = arith.constant 96 : index
        %get3A_950 = tpu.vector_load %arg9[%get3A_948, %get3A_949] {strides = array<i32>} : memref<64x128xf32, #tpu.memory_space<vmem>>, vector<16xf32>,
        %mul3A_951 = arith.mulf %get3A_950, %gather3A_611 : vector<16xf32>
        %swap3A_952 = arith.index_cast %add3A_905 : i32 to index
        %swap3A_953 = arith.constant 96 : index
        %swap3A_954 = tpu.vector_load %arg9[%swap3A_952, %swap3A_953] {strides = array<i32>} : memref<64x128xf32, #tpu.memory_space<vmem>>, vector<16xf32>,
        tpu.vector_store %arg9[%swap3A_952, %swap3A_953], %mul3A_951 {strides = array<i32>} : memref<64x128xf32, #tpu.memory_space<vmem>>, vector<16xf32>,
        %get3A_955 = arith.index_cast %add3A_905 : i32 to index
        %get3A_956 = arith.constant 112 : index
        %get3A_957 = tpu.vector_load %arg9[%get3A_955, %get3A_956] {strides = array<i32>} : memref<64x128xf32, #tpu.memory_space<vmem>>, vector<16xf32>,
        %mul3A_958 = arith.mulf %get3A_957, %gather3A_611 : vector<16xf32>
        %swap3A_959 = arith.index_cast %add3A_905 : i32 to index
        %swap3A_960 = arith.constant 112 : index
        %swap3A_961 = tpu.vector_load %arg9[%swap3A_959, %swap3A_960] {strides = array<i32>} : memref<64x128xf32, #tpu.memory_space<vmem>>, vector<16xf32>,
        tpu.vector_store %arg9[%swap3A_959, %swap3A_960], %mul3A_958 {strides = array<i32>} : memref<64x128xf32, #tpu.memory_space<vmem>>, vector<16xf32>,
        %add3A_962 = arith.constant 5 : i32
        %add3A_963 = arith.addi %mul3A_512, %add3A_962 : i32
        %get3A_964 = arith.index_cast %add3A_963 : i32 to index
        %get3A_965 = arith.constant 0 : index
        %get3A_966 = tpu.vector_load %arg9[%get3A_964, %get3A_965] {strides = array<i32>} : memref<64x128xf32, #tpu.memory_space<vmem>>, vector<16xf32>,
        %mul3A_967 = arith.mulf %get3A_966, %gather3A_619 : vector<16xf32>
        %swap3A_968 = arith.index_cast %add3A_963 : i32 to index
        %swap3A_969 = arith.constant 0 : index
        %swap3A_970 = tpu.vector_load %arg9[%swap3A_968, %swap3A_969] {strides = array<i32>} : memref<64x128xf32, #tpu.memory_space<vmem>>, vector<16xf32>,
        tpu.vector_store %arg9[%swap3A_968, %swap3A_969], %mul3A_967 {strides = array<i32>} : memref<64x128xf32, #tpu.memory_space<vmem>>, vector<16xf32>,
        %get3A_971 = arith.index_cast %add3A_963 : i32 to index
        %get3A_972 = arith.constant 16 : index
        %get3A_973 = tpu.vector_load %arg9[%get3A_971, %get3A_972] {strides = array<i32>} : memref<64x128xf32, #tpu.memory_space<vmem>>, vector<16xf32>,
        %mul3A_974 = arith.mulf %get3A_973, %gather3A_619 : vector<16xf32>
        %swap3A_975 = arith.index_cast %add3A_963 : i32 to index
        %swap3A_976 = arith.constant 16 : index
        %swap3A_977 = tpu.vector_load %arg9[%swap3A_975, %swap3A_976] {strides = array<i32>} : memref<64x128xf32, #tpu.memory_space<vmem>>, vector<16xf32>,
        tpu.vector_store %arg9[%swap3A_975, %swap3A_976], %mul3A_974 {strides = array<i32>} : memref<64x128xf32, #tpu.memory_space<vmem>>, vector<16xf32>,
        %get3A_978 = arith.index_cast %add3A_963 : i32 to index
        %get3A_979 = arith.constant 32 : index
        %get3A_980 = tpu.vector_load %arg9[%get3A_978, %get3A_979] {strides = array<i32>} : memref<64x128xf32, #tpu.memory_space<vmem>>, vector<16xf32>,
        %mul3A_981 = arith.mulf %get3A_980, %gather3A_623 : vector<16xf32>
        %swap3A_982 = arith.index_cast %add3A_963 : i32 to index
        %swap3A_983 = arith.constant 32 : index
        %swap3A_984 = tpu.vector_load %arg9[%swap3A_982, %swap3A_983] {strides = array<i32>} : memref<64x128xf32, #tpu.memory_space<vmem>>, vector<16xf32>,
        tpu.vector_store %arg9[%swap3A_982, %swap3A_983], %mul3A_981 {strides = array<i32>} : memref<64x128xf32, #tpu.memory_space<vmem>>, vector<16xf32>,
        %get3A_985 = arith.index_cast %add3A_963 : i32 to index
        %get3A_986 = arith.constant 48 : index
        %get3A_987 = tpu.vector_load %arg9[%get3A_985, %get3A_986] {strides = array<i32>} : memref<64x128xf32, #tpu.memory_space<vmem>>, vector<16xf32>,
        %mul3A_988 = arith.mulf %get3A_987, %gather3A_623 : vector<16xf32>
        %swap3A_989 = arith.index_cast %add3A_963 : i32 to index
        %swap3A_990 = arith.constant 48 : index
        %swap3A_991 = tpu.vector_load %arg9[%swap3A_989, %swap3A_990] {strides = array<i32>} : memref<64x128xf32, #tpu.memory_space<vmem>>, vector<16xf32>,
        tpu.vector_store %arg9[%swap3A_989, %swap3A_990], %mul3A_988 {strides = array<i32>} : memref<64x128xf32, #tpu.memory_space<vmem>>, vector<16xf32>,
        %get3A_992 = arith.index_cast %add3A_963 : i32 to index
        %get3A_993 = arith.constant 64 : index
        %get3A_994 = tpu.vector_load %arg9[%get3A_992, %get3A_993] {strides = array<i32>} : memref<64x128xf32, #tpu.memory_space<vmem>>, vector<16xf32>,
        %mul3A_995 = arith.mulf %get3A_994, %gather3A_627 : vector<16xf32>
        %swap3A_996 = arith.index_cast %add3A_963 : i32 to index
        %swap3A_997 = arith.constant 64 : index
        %swap3A_998 = tpu.vector_load %arg9[%swap3A_996, %swap3A_997] {strides = array<i32>} : memref<64x128xf32, #tpu.memory_space<vmem>>, vector<16xf32>,
        tpu.vector_store %arg9[%swap3A_996, %swap3A_997], %mul3A_995 {strides = array<i32>} : memref<64x128xf32, #tpu.memory_space<vmem>>, vector<16xf32>,
        %get3A_999 = arith.index_cast %add3A_963 : i32 to index
        %get3A_1000 = arith.constant 80 : index
        %get3A_1001 = tpu.vector_load %arg9[%get3A_999, %get3A_1000] {strides = array<i32>} : memref<64x128xf32, #tpu.memory_space<vmem>>, vector<16xf32>,
        %mul3A_1002 = arith.mulf %get3A_1001, %gather3A_627 : vector<16xf32>
        %swap3A_1003 = arith.index_cast %add3A_963 : i32 to index
        %swap3A_1004 = arith.constant 80 : index
        %swap3A_1005 = tpu.vector_load %arg9[%swap3A_1003, %swap3A_1004] {strides = array<i32>} : memref<64x128xf32, #tpu.memory_space<vmem>>, vector<16xf32>,
        tpu.vector_store %arg9[%swap3A_1003, %swap3A_1004], %mul3A_1002 {strides = array<i32>} : memref<64x128xf32, #tpu.memory_space<vmem>>, vector<16xf32>,
        %get3A_1006 = arith.index_cast %add3A_963 : i32 to index
        %get3A_1007 = arith.constant 96 : index
        %get3A_1008 = tpu.vector_load %arg9[%get3A_1006, %get3A_1007] {strides = array<i32>} : memref<64x128xf32, #tpu.memory_space<vmem>>, vector<16xf32>,
        %mul3A_1009 = arith.mulf %get3A_1008, %gather3A_631 : vector<16xf32>
        %swap3A_1010 = arith.index_cast %add3A_963 : i32 to index
        %swap3A_1011 = arith.constant 96 : index
        %swap3A_1012 = tpu.vector_load %arg9[%swap3A_1010, %swap3A_1011] {strides = array<i32>} : memref<64x128xf32, #tpu.memory_space<vmem>>, vector<16xf32>,
        tpu.vector_store %arg9[%swap3A_1010, %swap3A_1011], %mul3A_1009 {strides = array<i32>} : memref<64x128xf32, #tpu.memory_space<vmem>>, vector<16xf32>,
        %get3A_1013 = arith.index_cast %add3A_963 : i32 to index
        %get3A_1014 = arith.constant 112 : index
        %get3A_1015 = tpu.vector_load %arg9[%get3A_1013, %get3A_1014] {strides = array<i32>} : memref<64x128xf32, #tpu.memory_space<vmem>>, vector<16xf32>,
        %mul3A_1016 = arith.mulf %get3A_1015, %gather3A_631 : vector<16xf32>
        %swap3A_1017 = arith.index_cast %add3A_963 : i32 to index
        %swap3A_1018 = arith.constant 112 : index
        %swap3A_1019 = tpu.vector_load %arg9[%swap3A_1017, %swap3A_1018] {strides = array<i32>} : memref<64x128xf32, #tpu.memory_space<vmem>>, vector<16xf32>,
        tpu.vector_store %arg9[%swap3A_1017, %swap3A_1018], %mul3A_1016 {strides = array<i32>} : memref<64x128xf32, #tpu.memory_space<vmem>>, vector<16xf32>,
        %add3A_1020 = arith.constant 6 : i32
        %add3A_1021 = arith.addi %mul3A_512, %add3A_1020 : i32
        %get3A_1022 = arith.index_cast %add3A_1021 : i32 to index
        %get3A_1023 = arith.constant 0 : index
        %get3A_1024 = tpu.vector_load %arg9[%get3A_1022, %get3A_1023] {strides = array<i32>} : memref<64x128xf32, #tpu.memory_space<vmem>>, vector<16xf32>,
        %mul3A_1025 = arith.mulf %get3A_1024, %gather3A_639 : vector<16xf32>
        %swap3A_1026 = arith.index_cast %add3A_1021 : i32 to index
        %swap3A_1027 = arith.constant 0 : index
        %swap3A_1028 = tpu.vector_load %arg9[%swap3A_1026, %swap3A_1027] {strides = array<i32>} : memref<64x128xf32, #tpu.memory_space<vmem>>, vector<16xf32>,
        tpu.vector_store %arg9[%swap3A_1026, %swap3A_1027], %mul3A_1025 {strides = array<i32>} : memref<64x128xf32, #tpu.memory_space<vmem>>, vector<16xf32>,
        %get3A_1029 = arith.index_cast %add3A_1021 : i32 to index
        %get3A_1030 = arith.constant 16 : index
        %get3A_1031 = tpu.vector_load %arg9[%get3A_1029, %get3A_1030] {strides = array<i32>} : memref<64x128xf32, #tpu.memory_space<vmem>>, vector<16xf32>,
        %mul3A_1032 = arith.mulf %get3A_1031, %gather3A_639 : vector<16xf32>
        %swap3A_1033 = arith.index_cast %add3A_1021 : i32 to index
        %swap3A_1034 = arith.constant 16 : index
        %swap3A_1035 = tpu.vector_load %arg9[%swap3A_1033, %swap3A_1034] {strides = array<i32>} : memref<64x128xf32, #tpu.memory_space<vmem>>, vector<16xf32>,
        tpu.vector_store %arg9[%swap3A_1033, %swap3A_1034], %mul3A_1032 {strides = array<i32>} : memref<64x128xf32, #tpu.memory_space<vmem>>, vector<16xf32>,
        %get3A_1036 = arith.index_cast %add3A_1021 : i32 to index
        %get3A_1037 = arith.constant 32 : index
        %get3A_1038 = tpu.vector_load %arg9[%get3A_1036, %get3A_1037] {strides = array<i32>} : memref<64x128xf32, #tpu.memory_space<vmem>>, vector<16xf32>,
        %mul3A_1039 = arith.mulf %get3A_1038, %gather3A_643 : vector<16xf32>
        %swap3A_1040 = arith.index_cast %add3A_1021 : i32 to index
        %swap3A_1041 = arith.constant 32 : index
        %swap3A_1042 = tpu.vector_load %arg9[%swap3A_1040, %swap3A_1041] {strides = array<i32>} : memref<64x128xf32, #tpu.memory_space<vmem>>, vector<16xf32>,
        tpu.vector_store %arg9[%swap3A_1040, %swap3A_1041], %mul3A_1039 {strides = array<i32>} : memref<64x128xf32, #tpu.memory_space<vmem>>, vector<16xf32>,
        %get3A_1043 = arith.index_cast %add3A_1021 : i32 to index
        %get3A_1044 = arith.constant 48 : index
        %get3A_1045 = tpu.vector_load %arg9[%get3A_1043, %get3A_1044] {strides = array<i32>} : memref<64x128xf32, #tpu.memory_space<vmem>>, vector<16xf32>,
        %mul3A_1046 = arith.mulf %get3A_1045, %gather3A_643 : vector<16xf32>
        %swap3A_1047 = arith.index_cast %add3A_1021 : i32 to index
        %swap3A_1048 = arith.constant 48 : index
        %swap3A_1049 = tpu.vector_load %arg9[%swap3A_1047, %swap3A_1048] {strides = array<i32>} : memref<64x128xf32, #tpu.memory_space<vmem>>, vector<16xf32>,
        tpu.vector_store %arg9[%swap3A_1047, %swap3A_1048], %mul3A_1046 {strides = array<i32>} : memref<64x128xf32, #tpu.memory_space<vmem>>, vector<16xf32>,
        %get3A_1050 = arith.index_cast %add3A_1021 : i32 to index
        %get3A_1051 = arith.constant 64 : index
        %get3A_1052 = tpu.vector_load %arg9[%get3A_1050, %get3A_1051] {strides = array<i32>} : memref<64x128xf32, #tpu.memory_space<vmem>>, vector<16xf32>,
        %mul3A_1053 = arith.mulf %get3A_1052, %gather3A_647 : vector<16xf32>
        %swap3A_1054 = arith.index_cast %add3A_1021 : i32 to index
        %swap3A_1055 = arith.constant 64 : index
        %swap3A_1056 = tpu.vector_load %arg9[%swap3A_1054, %swap3A_1055] {strides = array<i32>} : memref<64x128xf32, #tpu.memory_space<vmem>>, vector<16xf32>,
        tpu.vector_store %arg9[%swap3A_1054, %swap3A_1055], %mul3A_1053 {strides = array<i32>} : memref<64x128xf32, #tpu.memory_space<vmem>>, vector<16xf32>,
        %get3A_1057 = arith.index_cast %add3A_1021 : i32 to index
        %get3A_1058 = arith.constant 80 : index
        %get3A_1059 = tpu.vector_load %arg9[%get3A_1057, %get3A_1058] {strides = array<i32>} : memref<64x128xf32, #tpu.memory_space<vmem>>, vector<16xf32>,
        %mul3A_1060 = arith.mulf %get3A_1059, %gather3A_647 : vector<16xf32>
        %swap3A_1061 = arith.index_cast %add3A_1021 : i32 to index
        %swap3A_1062 = arith.constant 80 : index
        %swap3A_1063 = tpu.vector_load %arg9[%swap3A_1061, %swap3A_1062] {strides = array<i32>} : memref<64x128xf32, #tpu.memory_space<vmem>>, vector<16xf32>,
        tpu.vector_store %arg9[%swap3A_1061, %swap3A_1062], %mul3A_1060 {strides = array<i32>} : memref<64x128xf32, #tpu.memory_space<vmem>>, vector<16xf32>,
        %get3A_1064 = arith.index_cast %add3A_1021 : i32 to index
        %get3A_1065 = arith.constant 96 : index
        %get3A_1066 = tpu.vector_load %arg9[%get3A_1064, %get3A_1065] {strides = array<i32>} : memref<64x128xf32, #tpu.memory_space<vmem>>, vector<16xf32>,
        %mul3A_1067 = arith.mulf %get3A_1066, %gather3A_651 : vector<16xf32>
        %swap3A_1068 = arith.index_cast %add3A_1021 : i32 to index
        %swap3A_1069 = arith.constant 96 : index
        %swap3A_1070 = tpu.vector_load %arg9[%swap3A_1068, %swap3A_1069] {strides = array<i32>} : memref<64x128xf32, #tpu.memory_space<vmem>>, vector<16xf32>,
        tpu.vector_store %arg9[%swap3A_1068, %swap3A_1069], %mul3A_1067 {strides = array<i32>} : memref<64x128xf32, #tpu.memory_space<vmem>>, vector<16xf32>,
        %get3A_1071 = arith.index_cast %add3A_1021 : i32 to index
        %get3A_1072 = arith.constant 112 : index
        %get3A_1073 = tpu.vector_load %arg9[%get3A_1071, %get3A_1072] {strides = array<i32>} : memref<64x128xf32, #tpu.memory_space<vmem>>, vector<16xf32>,
        %mul3A_1074 = arith.mulf %get3A_1073, %gather3A_651 : vector<16xf32>
        %swap3A_1075 = arith.index_cast %add3A_1021 : i32 to index
        %swap3A_1076 = arith.constant 112 : index
        %swap3A_1077 = tpu.vector_load %arg9[%swap3A_1075, %swap3A_1076] {strides = array<i32>} : memref<64x128xf32, #tpu.memory_space<vmem>>, vector<16xf32>,
        tpu.vector_store %arg9[%swap3A_1075, %swap3A_1076], %mul3A_1074 {strides = array<i32>} : memref<64x128xf32, #tpu.memory_space<vmem>>, vector<16xf32>,
        %add3A_1078 = arith.constant 7 : i32
        %add3A_1079 = arith.addi %mul3A_512, %add3A_1078 : i32
        %get3A_1080 = arith.index_cast %add3A_1079 : i32 to index
        %get3A_1081 = arith.constant 0 : index
        %get3A_1082 = tpu.vector_load %arg9[%get3A_1080, %get3A_1081] {strides = array<i32>} : memref<64x128xf32, #tpu.memory_space<vmem>>, vector<16xf32>,
        %mul3A_1083 = arith.mulf %get3A_1082, %gather3A_659 : vector<16xf32>
        %swap3A_1084 = arith.index_cast %add3A_1079 : i32 to index
        %swap3A_1085 = arith.constant 0 : index
        %swap3A_1086 = tpu.vector_load %arg9[%swap3A_1084, %swap3A_1085] {strides = array<i32>} : memref<64x128xf32, #tpu.memory_space<vmem>>, vector<16xf32>,
        tpu.vector_store %arg9[%swap3A_1084, %swap3A_1085], %mul3A_1083 {strides = array<i32>} : memref<64x128xf32, #tpu.memory_space<vmem>>, vector<16xf32>,
        %get3A_1087 = arith.index_cast %add3A_1079 : i32 to index
        %get3A_1088 = arith.constant 16 : index
        %get3A_1089 = tpu.vector_load %arg9[%get3A_1087, %get3A_1088] {strides = array<i32>} : memref<64x128xf32, #tpu.memory_space<vmem>>, vector<16xf32>,
        %mul3A_1090 = arith.mulf %get3A_1089, %gather3A_659 : vector<16xf32>
        %swap3A_1091 = arith.index_cast %add3A_1079 : i32 to index
        %swap3A_1092 = arith.constant 16 : index
        %swap3A_1093 = tpu.vector_load %arg9[%swap3A_1091, %swap3A_1092] {strides = array<i32>} : memref<64x128xf32, #tpu.memory_space<vmem>>, vector<16xf32>,
        tpu.vector_store %arg9[%swap3A_1091, %swap3A_1092], %mul3A_1090 {strides = array<i32>} : memref<64x128xf32, #tpu.memory_space<vmem>>, vector<16xf32>,
        %get3A_1094 = arith.index_cast %add3A_1079 : i32 to index
        %get3A_1095 = arith.constant 32 : index
        %get3A_1096 = tpu.vector_load %arg9[%get3A_1094, %get3A_1095] {strides = array<i32>} : memref<64x128xf32, #tpu.memory_space<vmem>>, vector<16xf32>,
        %mul3A_1097 = arith.mulf %get3A_1096, %gather3A_663 : vector<16xf32>
        %swap3A_1098 = arith.index_cast %add3A_1079 : i32 to index
        %swap3A_1099 = arith.constant 32 : index
        %swap3A_1100 = tpu.vector_load %arg9[%swap3A_1098, %swap3A_1099] {strides = array<i32>} : memref<64x128xf32, #tpu.memory_space<vmem>>, vector<16xf32>,
        tpu.vector_store %arg9[%swap3A_1098, %swap3A_1099], %mul3A_1097 {strides = array<i32>} : memref<64x128xf32, #tpu.memory_space<vmem>>, vector<16xf32>,
        %get3A_1101 = arith.index_cast %add3A_1079 : i32 to index
        %get3A_1102 = arith.constant 48 : index
        %get3A_1103 = tpu.vector_load %arg9[%get3A_1101, %get3A_1102] {strides = array<i32>} : memref<64x128xf32, #tpu.memory_space<vmem>>, vector<16xf32>,
        %mul3A_1104 = arith.mulf %get3A_1103, %gather3A_663 : vector<16xf32>
        %swap3A_1105 = arith.index_cast %add3A_1079 : i32 to index
        %swap3A_1106 = arith.constant 48 : index
        %swap3A_1107 = tpu.vector_load %arg9[%swap3A_1105, %swap3A_1106] {strides = array<i32>} : memref<64x128xf32, #tpu.memory_space<vmem>>, vector<16xf32>,
        tpu.vector_store %arg9[%swap3A_1105, %swap3A_1106], %mul3A_1104 {strides = array<i32>} : memref<64x128xf32, #tpu.memory_space<vmem>>, vector<16xf32>,
        %get3A_1108 = arith.index_cast %add3A_1079 : i32 to index
        %get3A_1109 = arith.constant 64 : index
        %get3A_1110 = tpu.vector_load %arg9[%get3A_1108, %get3A_1109] {strides = array<i32>} : memref<64x128xf32, #tpu.memory_space<vmem>>, vector<16xf32>,
        %mul3A_1111 = arith.mulf %get3A_1110, %gather3A_667 : vector<16xf32>
        %swap3A_1112 = arith.index_cast %add3A_1079 : i32 to index
        %swap3A_1113 = arith.constant 64 : index
        %swap3A_1114 = tpu.vector_load %arg9[%swap3A_1112, %swap3A_1113] {strides = array<i32>} : memref<64x128xf32, #tpu.memory_space<vmem>>, vector<16xf32>,
        tpu.vector_store %arg9[%swap3A_1112, %swap3A_1113], %mul3A_1111 {strides = array<i32>} : memref<64x128xf32, #tpu.memory_space<vmem>>, vector<16xf32>,
        %get3A_1115 = arith.index_cast %add3A_1079 : i32 to index
        %get3A_1116 = arith.constant 80 : index
        %get3A_1117 = tpu.vector_load %arg9[%get3A_1115, %get3A_1116] {strides = array<i32>} : memref<64x128xf32, #tpu.memory_space<vmem>>, vector<16xf32>,
        %mul3A_1118 = arith.mulf %get3A_1117, %gather3A_667 : vector<16xf32>
        %swap3A_1119 = arith.index_cast %add3A_1079 : i32 to index
        %swap3A_1120 = arith.constant 80 : index
        %swap3A_1121 = tpu.vector_load %arg9[%swap3A_1119, %swap3A_1120] {strides = array<i32>} : memref<64x128xf32, #tpu.memory_space<vmem>>, vector<16xf32>,
        tpu.vector_store %arg9[%swap3A_1119, %swap3A_1120], %mul3A_1118 {strides = array<i32>} : memref<64x128xf32, #tpu.memory_space<vmem>>, vector<16xf32>,
        %get3A_1122 = arith.index_cast %add3A_1079 : i32 to index
        %get3A_1123 = arith.constant 96 : index
        %get3A_1124 = tpu.vector_load %arg9[%get3A_1122, %get3A_1123] {strides = array<i32>} : memref<64x128xf32, #tpu.memory_space<vmem>>, vector<16xf32>,
        %mul3A_1125 = arith.mulf %get3A_1124, %gather3A_671 : vector<16xf32>
        %swap3A_1126 = arith.index_cast %add3A_1079 : i32 to index
        %swap3A_1127 = arith.constant 96 : index
        %swap3A_1128 = tpu.vector_load %arg9[%swap3A_1126, %swap3A_1127] {strides = array<i32>} : memref<64x128xf32, #tpu.memory_space<vmem>>, vector<16xf32>,
        tpu.vector_store %arg9[%swap3A_1126, %swap3A_1127], %mul3A_1125 {strides = array<i32>} : memref<64x128xf32, #tpu.memory_space<vmem>>, vector<16xf32>,
        %get3A_1129 = arith.index_cast %add3A_1079 : i32 to index
        %get3A_1130 = arith.constant 112 : index
        %get3A_1131 = tpu.vector_load %arg9[%get3A_1129, %get3A_1130] {strides = array<i32>} : memref<64x128xf32, #tpu.memory_space<vmem>>, vector<16xf32>,
        %mul3A_1132 = arith.mulf %get3A_1131, %gather3A_671 : vector<16xf32>
        %swap3A_1133 = arith.index_cast %add3A_1079 : i32 to index
        %swap3A_1134 = arith.constant 112 : index
        %swap3A_1135 = tpu.vector_load %arg9[%swap3A_1133, %swap3A_1134] {strides = array<i32>} : memref<64x128xf32, #tpu.memory_space<vmem>>, vector<16xf32>,
        tpu.vector_store %arg9[%swap3A_1133, %swap3A_1134], %mul3A_1132 {strides = array<i32>} : memref<64x128xf32, #tpu.memory_space<vmem>>, vector<16xf32>,
      }
      %scan3A_509 = arith.constant 8 : i32
      %run_scoped3A = arith.constant 0 : i32
      "tpu.region"() ({
        %run_scoped3A_510 = tpu.sem_alloc : memref<!tpu.dma_semaphore, #tpu.memory_space<semaphore_mem>>
        %dma_start3A_511 = arith.constant 0 : i32
        %dma_start3A_512 = tpu.memref_slice %arg8[%run_scoped3A, %dma_start3A_511] : memref<3x64xi32, #tpu.memory_space<vmem>> -> memref<1x64xi32, #tpu.memory_space<vmem>>
        %dma_start3A_513 = tpu.memref_squeeze %dma_start3A_512 : memref<1x64xi32, #tpu.memory_space<vmem>> -> memref<64xi32, #tpu.memory_space<vmem>>
        %dma_start3A_514 = arith.constant 0 : i32
        %dma_start3A_515 = arith.constant 0 : i32
        %dma_start3A_516 = tpu.memref_slice %arg11[%dma_start3A_514, %dma_start3A_515] : memref<10240x128xf32, #tpu.memory_space<vmem_shared>> -> memref<10240x128xf32, #tpu.memory_space<vmem_shared>>
        tpu.enqueue_indirect_dma source(%arg9 : memref<64x128xf32, #tpu.memory_space<vmem>>) target(%dma_start3A_516 : memref<10240x128xf32, #tpu.memory_space<vmem_shared>>) offsets(%dma_start3A_513 : memref<64xi32, #tpu.memory_space<vmem>>) semaphore(%run_scoped3A_510 : memref<!tpu.dma_semaphore, #tpu.memory_space<semaphore_mem>>) {add = true}
        %dma_wait3A_517 = arith.constant 0 : i32
        %dma_wait3A_518 = tpu.memref_slice %arg8[%run_scoped3A, %dma_wait3A_517] : memref<3x64xi32, #tpu.memory_space<vmem>> -> memref<1x64xi32, #tpu.memory_space<vmem>>
        %dma_wait3A_519 = tpu.memref_squeeze %dma_wait3A_518 : memref<1x64xi32, #tpu.memory_space<vmem>> -> memref<64xi32, #tpu.memory_space<vmem>>
        %dma_wait3A_520 = arith.constant 0 : i32
        %dma_wait3A_521 = arith.constant 0 : i32
        %dma_wait3A_522 = tpu.memref_slice %arg11[%dma_wait3A_520, %dma_wait3A_521] : memref<10240x128xf32, #tpu.memory_space<vmem_shared>> -> memref<10240x128xf32, #tpu.memory_space<vmem_shared>>
        tpu.wait_indirect_dma semaphore(%run_scoped3A_510 : memref<!tpu.dma_semaphore, #tpu.memory_space<semaphore_mem>>) src(%arg9 : memref<64x128xf32, #tpu.memory_space<vmem>>) dst(%dma_wait3A_522 : memref<10240x128xf32, #tpu.memory_space<vmem_shared>>)
        tpu.yield
      }) : () -> ()
    }
    %scan3A_9 = arith.constant 157 : i32
    %barrier3A_10 = arith.constant 0 : index
    tpu.barrier barrier_id(%barrier3A_10)
    %mul3A_11 = arith.constant 640 : i32
    %mul3A_12 = arith.muli %arg1, %mul3A_11 : i32
    "tpu.region"() ({
      %run_scoped3A = tpu.sem_alloc : memref<!tpu.dma_semaphore, #tpu.memory_space<semaphore_mem>>
      %dma_start3A = arith.constant 0 : i32
      %dma_start3A_13 = tpu.memref_slice %arg6[%arg0, %mul3A_12, %dma_start3A] : memref<2x10240x128xf32, #tpu.memory_space<hbm>> -> memref<1x640x128xf32, #tpu.memory_space<hbm>>
      %dma_start3A_14 = tpu.memref_squeeze %dma_start3A_13 : memref<1x640x128xf32, #tpu.memory_space<hbm>> -> memref<640x128xf32, #tpu.memory_space<hbm>>
      %dma_start3A_15 = arith.constant 0 : i32
      %dma_start3A_16 = tpu.memref_slice %arg11[%mul3A_12, %dma_start3A_15] : memref<10240x128xf32, #tpu.memory_space<vmem_shared>> -> memref<640x128xf32, #tpu.memory_space<vmem_shared>>
      tpu.enqueue_dma source(%dma_start3A_16 : memref<640x128xf32, #tpu.memory_space<vmem_shared>>) target(%dma_start3A_14 : memref<640x128xf32, #tpu.memory_space<hbm>>) target_semaphore(%run_scoped3A : memref<!tpu.dma_semaphore, #tpu.memory_space<semaphore_mem>>)
      %dma_wait3A = arith.constant 0 : i32
      %dma_wait3A_17 = tpu.memref_slice %arg6[%arg0, %mul3A_12, %dma_wait3A] : memref<2x10240x128xf32, #tpu.memory_space<hbm>> -> memref<1x640x128xf32, #tpu.memory_space<hbm>>
      %dma_wait3A_18 = tpu.memref_squeeze %dma_wait3A_17 : memref<1x640x128xf32, #tpu.memory_space<hbm>> -> memref<640x128xf32, #tpu.memory_space<hbm>>
      %dma_wait3A_19 = arith.constant 0 : i32
      %dma_wait3A_20 = tpu.memref_slice %arg11[%mul3A_12, %dma_wait3A_19] : memref<10240x128xf32, #tpu.memory_space<vmem_shared>> -> memref<640x128xf32, #tpu.memory_space<vmem_shared>>
      tpu.wait_dma2 semaphore(%run_scoped3A : memref<!tpu.dma_semaphore, #tpu.memory_space<semaphore_mem>>) src(%dma_wait3A_20 : memref<640x128xf32, #tpu.memory_space<vmem_shared>>) dst(%dma_wait3A_18 : memref<640x128xf32, #tpu.memory_space<hbm>>)
      tpu.yield
    }) : () -> ()
    return
  }
}

module attributes {stable_mosaic.version = 14 : i64} {
  func.func @_prep_body(%arg0: memref<10000x128xf32, #tpu.memory_space<vmem>>, %arg1: memref<128x4xf32, #tpu.memory_space<vmem>>, %arg2: memref<128x4xf32, #tpu.memory_space<vmem>>, %arg3: memref<4x10000xi32, #tpu.memory_space<vmem>>) attributes {dimension_semantics = [], scalar_prefetch = 0 : i64, scratch_operands = 0 : i64, tpu.core_type = #tpu.core_type<tc>} {
    %get3A = arith.constant 0 : index
    %get3A_0 = arith.constant 0 : index
    %get3A_1 = vector.load %arg0[%get3A, %get3A_0] : memref<10000x128xf32, #tpu.memory_space<vmem>>, vector<10000x128xf32>
    %get3A_2 = arith.constant 0 : index
    %get3A_3 = arith.constant 0 : index
    %get3A_4 = vector.load %arg1[%get3A_2, %get3A_3] : memref<128x4xf32, #tpu.memory_space<vmem>>, vector<128x4xf32>
    %dot_general3A = arith.constant dense<0.000000e+00> : vector<10000x4xf32>
    %dot_general3A_5 = tpu.matmul %get3A_1, %get3A_4, %dot_general3A {dimension_numbers = #tpu.dot_dimension_numbers<[1], [0], [0], [1], [0, 0, 1, 1], [], []>, precision = #tpu.contract_precision<fp32>, transpose_lhs_hint = false} : vector<10000x128xf32>, vector<128x4xf32>, vector<10000x4xf32> -> vector<10000x4xf32>
    %get3A_6 = arith.constant 0 : index
    %get3A_7 = arith.constant 0 : index
    %get3A_8 = vector.load %arg0[%get3A_6, %get3A_7] : memref<10000x128xf32, #tpu.memory_space<vmem>>, vector<10000x128xf32>
    %get3A_9 = arith.constant 0 : index
    %get3A_10 = arith.constant 0 : index
    %get3A_11 = vector.load %arg2[%get3A_9, %get3A_10] : memref<128x4xf32, #tpu.memory_space<vmem>>, vector<128x4xf32>
    %dot_general3A_12 = arith.constant dense<0.000000e+00> : vector<10000x4xf32>
    %dot_general3A_13 = tpu.matmul %get3A_8, %get3A_11, %dot_general3A_12 {dimension_numbers = #tpu.dot_dimension_numbers<[1], [0], [0], [1], [0, 0, 1, 1], [], []>, precision = #tpu.contract_precision<fp32>, transpose_lhs_hint = false} : vector<10000x128xf32>, vector<128x4xf32>, vector<10000x4xf32> -> vector<10000x4xf32>
    %bitcast_convert_type3A = tpu.bitcast %dot_general3A_5 : vector<10000x4xf32> -> vector<10000x4xi32>
    %bitcast_convert_type3A_14 = tpu.bitcast %dot_general3A_13 : vector<10000x4xf32> -> vector<10000x4xi32>
    %add3A = arith.constant 32768 : i32
    %add3A_15 = vector.broadcast %add3A : i32 to vector<10000x4xi32>
    %add3A_16 = arith.addi %bitcast_convert_type3A, %add3A_15 : vector<10000x4xi32>
    %and3A = arith.constant -65536 : i32
    %and3A_17 = vector.broadcast %and3A : i32 to vector<10000x4xi32>
    %and3A_18 = arith.andi %add3A_16, %and3A_17 : vector<10000x4xi32>
    %add3A_19 = arith.constant 32768 : i32
    %add3A_20 = vector.broadcast %add3A_19 : i32 to vector<10000x4xi32>
    %add3A_21 = arith.addi %bitcast_convert_type3A_14, %add3A_20 : vector<10000x4xi32>
    %shift_right_logical3A = arith.constant 16 : i32
    %shift_right_logical3A_22 = vector.broadcast %shift_right_logical3A : i32 to vector<10000x4xi32>
    %shift_right_logical3A_23 = arith.shrui %add3A_21, %shift_right_logical3A_22 : vector<10000x4xi32>
    %or3A = arith.ori %and3A_18, %shift_right_logical3A_23 : vector<10000x4xi32>
    %transpose3A = tpu.transpose %or3A, [1, 0] : vector<10000x4xi32> -> vector<4x10000xi32>
    %swap3A = arith.constant 0 : index
    %swap3A_24 = arith.constant 0 : index
    %swap3A_25 = vector.load %arg3[%swap3A, %swap3A_24] : memref<4x10000xi32, #tpu.memory_space<vmem>>, vector<4x10000xi32>
    tpu.vector_store %arg3[%swap3A, %swap3A_24], %transpose3A {strides = array<i32>} : memref<4x10000xi32, #tpu.memory_space<vmem>>, vector<4x10000xi32>,
    return
  }
}

module attributes {stable_mosaic.version = 14 : i64} {
  func.func @_comb_body(%arg0: memref<2x10240x128xf32, #tpu.memory_space<vmem>>, %arg1: memref<10000x128xf32, #tpu.memory_space<vmem>>) attributes {dimension_semantics = [], scalar_prefetch = 0 : i64, scratch_operands = 0 : i64, tpu.core_type = #tpu.core_type<tc>} {
    %get3A = arith.constant 0 : index
    %get3A_0 = arith.constant 0 : index
    %get3A_1 = arith.constant 0 : index
    %get3A_2 = vector.load %arg0[%get3A, %get3A_0, %get3A_1] : memref<2x10240x128xf32, #tpu.memory_space<vmem>>, vector<1x10000x128xf32>
    %get3A_3 = vector.shape_cast %get3A_2 : vector<1x10000x128xf32> to vector<10000x128xf32>
    %get3A_4 = arith.constant 1 : index
    %get3A_5 = arith.constant 0 : index
    %get3A_6 = arith.constant 0 : index
    %get3A_7 = vector.load %arg0[%get3A_4, %get3A_5, %get3A_6] : memref<2x10240x128xf32, #tpu.memory_space<vmem>>, vector<1x10000x128xf32>
    %get3A_8 = vector.shape_cast %get3A_7 : vector<1x10000x128xf32> to vector<10000x128xf32>
    %add3A = arith.addf %get3A_3, %get3A_8 : vector<10000x128xf32>
    %swap3A = arith.constant 0 : index
    %swap3A_9 = arith.constant 0 : index
    %swap3A_10 = vector.load %arg1[%swap3A, %swap3A_9] : memref<10000x128xf32, #tpu.memory_space<vmem>>, vector<10000x128xf32>
    tpu.vector_store %arg1[%swap3A, %swap3A_9], %add3A {strides = array<i32>} : memref<10000x128xf32, #tpu.memory_space<vmem>>, vector<10000x128xf32>,
    return
  }
}

</mosaic_0001>

<sc_bundles>
// kernel: kernel.5.cloned.1.call-start
scs
__scs_entry_jumppad:
0x0: {  	(pc) =	sbr.rel $0x88, $3  }
0x1: {  	(tag) =	ssettag $0x0;
	lr =	simm.s32 $0x1  }
0x2: {  	[smem:$0x3F9D] =	sst lr;
	_ =	strace $0xD0000000  }
0x3: {  	_ = 	snop  }
0x4: {  	_ = 	snop  }
0x5: {  	_ = 	snop  }
0x6: {  	_ = 	snop  }
0x7: {  	_ = 	snop  }
__scs_overlays_trampoline_lowered:
0x8: {  	[smem:$0x3FAC] =	sst s0  }
0x9: {  	[smem:$0x3FAD] =	sst s1  }
0xa: {  	[smem:$0x3FAE] =	sst s2  }
0xb: {  	[smem:$0x3FAF] =	sst s3  }
0xc: {  	[smem:$0x3FB0] =	sst s4  }
0xd: {  	[smem:$0x3FB1] =	sst s5  }
0xe: {  	[smem:$0x3FB2] =	sst s6  }
0xf: {  	[smem:$0x3FB3] =	sst s7  }
0x10: {  	[smem:$0x3FB4] =	sst s8  }
0x11: {  	[smem:$0x3FB5] =	sst s9;
	s0 =	simm.s32 @!p0 $0x0  }
0x12: {  	s1 =	sld [smem:$0x3F9B];
	s0 =	simm.s32 @p0 $0x1  }
0x13: {  	[smem:$0x3FB6] =	sst s0;
	s0 =	simm.s32 @!p1 $0x0  }
0x14: {  	s2 =	sld [smem:$0x3F9A];
	s0 =	simm.s32 @p1 $0x1  }
0x15: {  	[smem:$0x3FB7] =	sst s0;
	s0 =	simm.s32 @!p2 $0x0  }
0x16: {  	s3 =	sld [smem:$0x3FDB];
	s0 =	simm.s32 @p2 $0x1  }
0x17: {  	s4 =	simm.s32 $0x1BF5;
	[smem:$0x3FB9] =	sst s0  }
0x18: {  	s0 =	sld [smem:$0x3F9C];
	_ =	swait.ge [sflag:s4], $0x0  }
0x19: {  	s7 =	sld [smem:$0x3F9D]  }
0x1a: {  	s8 =	sadd.s32 $0xFFFFE003, lr  }
0x1b: {  	s9 =	sadd.s32 $0xFFFFFEF7, lr;
	s5 =	simm.s32 $0xFFFFFFFF;
	p2 =	slt.u32 s8, $0xFFFFF086  }
0x1c: {  	p1 =	slt.u32 s9, $0xF7A;
	s5 =	simm.s32 @!p2 $0x0  }
0x1d: {  	s5 =	simm.s32 @p1 $0x1;
	p0 =	seq.s32 s7, s2  }
0x1e: {  	s7 =	smul.u32 @!p0 $0xF7A, s2;
	p2 =	seq.s32 @!p0 s5, $0x0  }
0x1f: {  	s9 =	smul.u32 $0xF7A, s1;
	s8 =	simm.s32 @!p0 $0x1BF5;
	p2 =	por !p2, p0  }
0x20: {  	[sflag:s8] =	ssyncset.s32 @!p0 $0xFFFFF086;
	s6 =	sadd.s32 @!p0 s3, s7;
	s7 =	simm.s32 @!p0 $0x108  }
0x21: {  	s3 =	sadd.s32 s3, s9;
	s6 =	sadd.s32 @!p0 $0x88, s6;
	s7 =	simm.s32 @p2 $0x1082  }
0x22: {  	[simem:s7], [sflag:s8] =	dma.local @!p0 [hbm:s6], $0xF7A  }
0x23: {  	s9 =	sor.u32 $0xD0000000, s2;
	s6 =	simm.s32 $0x108;
	_ =	swait.ge @!p0 [sflag:s8], $0x0  }
0x24: {  	s3 =	sadd.s32 $0x88, s3;
	s6 =	simm.s32 @!p1 $0x1082;
	[sflag:s4] =	ssyncset.s32 $0xFFFFF086  }
0x25: {  	[simem:s6], [sflag:s4] =	dma.local [hbm:s3], $0xF7A  }
0x26: {  	[smem:$0x3F9D] =	sst s1;
	(tag) =	ssettag s2;
	_ =	strace s9  }
0x27: {  	s1 =	sld [smem:$0x3FAD]  }
0x28: {  	s2 =	sld [smem:$0x3FAE]  }
0x29: {  	s4 =	sld [smem:$0x3FB0]  }
0x2a: {  	p0 =	seq.s32 s5, $0x0;
	s5 =	sld [smem:$0x3FB1]  }
0x2b: {  	s6 =	sld [smem:$0x3FB2]  }
0x2c: {  	s7 =	sld [smem:$0x3FB3]  }
0x2d: {  	s3 =	simm.s32 $0x108;
	s8 =	sld [smem:$0x3FB4]  }
0x2e: {  	s3 =	simm.s32 @!p0 $0x1082;
	s9 =	sld [smem:$0x3FB5]  }
0x2f: {  	lr =	sadd.s32 s0, s3;
	s0 =	sld [smem:$0x3FAC]  }
0x30: {  	s3 =	sld [smem:$0x3FAF]  }
0x31: {  	[smem:$0x3FB8] =	sst s10  }
0x32: {  	s10 =	sld [smem:$0x3FB6];
	_ =	sdelay $0x3  }
0x33: {  	p0 =	seq.s32 s10, $0x1;
	s10 =	sld [smem:$0x3FB8];
	_ =	sdelay $0x3  }
0x34: {  	[smem:$0x3FB8] =	sst s10  }
0x35: {  	s10 =	sld [smem:$0x3FB7];
	_ =	sdelay $0x3  }
0x36: {  	p1 =	seq.s32 s10, $0x1;
	s10 =	sld [smem:$0x3FB8];
	_ =	sdelay $0x3  }
0x37: {  	[smem:$0x3FB8] =	sst s10  }
0x38: {  	s10 =	sld [smem:$0x3FB9]  }
0x39: {  	_ = 	snop;
	(pc) =	sbr.ind lr, $3  }
0x3a: {  	_ = 	snop  }
0x3b: {  	_ = 	snop  }
0x3c: {  	p2 =	seq.s32 s10, $0x1;
	s10 =	sld [smem:$0x3FB8]  }
0x3d: {  	_ =	shalt  }
0x3e: {  	_ =	shalt  }
0x3f: {  	_ =	shalt  }
0x40: {  	_ =	shalt  }
0x41: {  	_ =	shalt  }
0x42: {  	_ =	shalt  }
0x43: {  	_ =	shalt  }
0x44: {  	_ =	shalt  }
0x45: {  	_ =	shalt  }
0x46: {  	_ =	shalt  }
0x47: {  	_ =	shalt  }
0x48: {  	_ =	shalt  }
0x49: {  	_ =	shalt  }
0x4a: {  	_ =	shalt  }
0x4b: {  	_ =	shalt  }
0x4c: {  	_ =	shalt  }
0x4d: {  	_ =	shalt  }
0x4e: {  	_ =	shalt  }
0x4f: {  	_ =	shalt  }
0x50: {  	_ =	shalt  }
0x51: {  	_ =	shalt  }
0x52: {  	_ =	shalt  }
0x53: {  	_ =	shalt  }
0x54: {  	_ =	shalt  }
0x55: {  	_ =	shalt  }
0x56: {  	_ =	shalt  }
0x57: {  	_ =	shalt  }
0x58: {  	_ =	shalt  }
0x59: {  	_ =	shalt  }
0x5a: {  	_ =	shalt  }
0x5b: {  	_ =	shalt  }
0x5c: {  	_ =	shalt  }
0x5d: {  	_ =	shalt  }
0x5e: {  	_ =	shalt  }
0x5f: {  	_ =	shalt  }
0x60: {  	_ =	shalt  }
0x61: {  	_ =	shalt  }
0x62: {  	_ =	shalt  }
0x63: {  	_ =	shalt  }
0x64: {  	_ =	shalt  }
0x65: {  	_ =	shalt  }
0x66: {  	_ =	shalt  }
0x67: {  	_ =	shalt  }
0x68: {  	_ =	shalt  }
0x69: {  	_ =	shalt  }
0x6a: {  	_ =	shalt  }
0x6b: {  	_ =	shalt  }
0x6c: {  	_ =	shalt  }
0x6d: {  	_ =	shalt  }
0x6e: {  	_ =	shalt  }
0x6f: {  	_ =	shalt  }
0x70: {  	_ =	shalt  }
0x71: {  	_ =	shalt  }
0x72: {  	_ =	shalt  }
0x73: {  	_ =	shalt  }
0x74: {  	_ =	shalt  }
0x75: {  	_ =	shalt  }
0x76: {  	_ =	shalt  }
0x77: {  	_ =	shalt  }
0x78: {  	_ =	shalt  }
0x79: {  	_ =	shalt  }
0x7a: {  	_ =	shalt  }
0x7b: {  	_ =	shalt  }
0x7c: {  	_ =	shalt  }
0x7d: {  	_ =	shalt  }
0x7e: {  	_ =	shalt  }
0x7f: {  	_ =	shalt  }
0x80: {  	_ =	shalt  }
0x81: {  	_ =	shalt  }
0x82: {  	_ =	shalt  }
0x83: {  	_ =	shalt  }
0x84: {  	_ =	shalt  }
0x85: {  	_ =	shalt  }
0x86: {  	_ =	shalt  }
0x87: {  	_ =	shalt  }
.Lfunc_end0:
.L_simem_size_0:
called_computation_lowered:
.L_overlay_start_0:
0x88: {  	s2 =	sld [smem:$0x3FD9]  }
0x89: {  	s3 =	sld [smem:$0x3FFE];
	_ =	sdelay $0x1  }
0x8a: {  	s1 =	srdreg.scid  }
0x8b: {  	s0 =	sand.u32 $0x1, s1  }
0x8c: {  	s17 =	sshll.u32 s0, $0xA;
	s2 =	sadd.s32 s3, s2  }
0x8d: {  	s2 =	sadd.s32 s2, s17  }
0x8e: {  	[smem:$0x3FC4] =	sst s2  }
0x8f: {  	_ = 	snop  }
0x90: {  	s2 =	sld [smem:$0x3FC9]  }
0x91: {  	s18 =	sld [smem:$0x3FD0];
	(tm) =	ssettm $0x1  }
0x92: {  	s4 =	sld [smem:$0x3FFB];
	_ =	sdelay $0x3  }
0x93: {  	_ =	strace s4  }
0x94: {  	s4 =	sld [smem:$0x3FFC];
	_ =	sdelay $0x3  }
0x95: {  	_ =	strace s4  }
0x96: {  	s4 =	sld [smem:$0x3FFD];
	_ =	sdelay $0x3  }
0x97: {  	_ =	strace s4  }
0x98: {  	_ =	strace $0x8FFFFFFF  }
0x99: {  	s19 =	sld [smem:$0x3FDB];
	_ =	sdelay $0x1  }
0x9a: {  	s5 =	simm.s32 $_scs_section_size  }
0x9b: {  	s6 =	simm.s32 $_size__tile_overlayer_lowered;
	s7 =	simm.s32 $_tile_overlayer_lowered  }
0x9c: {  	s22 =	simm.s32 $0x1BFF;
	s21 =	sshll.u32 s7, $0x1;
	s4 =	sadd.s32 s5, s19  }
0x9d: {  	s8 =	simm.s32 $0x0;
	s20 =	sshll.u32 s6, $0x1;
	s6 =	sadd.s32 s21, s4  }
0x9e: {  	[timem:s8], [sflag:s22] =	dma.local [hbm:s6], s20  }
0x9f: {  	_ =	swait.ge [sflag:s22], s20  }
0xa0: {  	s5 =	ssub.s32 $0x0, s20;
	[sflag:s22] =	ssyncset.done $0x0  }
0xa1: {  	[sflag:s22] =	ssyncadd.s32 s5;
	_ =	sdelay $0x1  }
0xa2: {  	s23 =	simm.s32 $0x1B8B  }
0xa3: {  	_ =	swait.ge [sflag:s23], $0x1  }
0xa4: {  	[sflag:s23] =	ssyncset.done $0x0  }
0xa5: {  	s25 =	simm.s32 $0x1B8E;
	s24 =	sld [smem:$0x3FFE];
	[sflag:s23] =	ssyncadd.s32 $0xFFFFFFFF  }
0xa6: {  	s26 =	simm.s32 $execute0_lowered;
	[smem:$0x3FD2] =	sst s25  }
0xa7: {  	s6 =	sshll.u32 s26, $0x1;
	_ =	strace $0x80000046;
	[dreg:$0x1] =	wrdreg $0xFFFFFFFF  }
0xa8: {  	s28 =	simm.s32 $_size_execute0_lowered;
	s4 =	sadd.s32 s4, s6;
	[dreg:$0x0] =	wrdreg $0x0  }
0xa9: {  	s6 =	sshll.u32 s28, $0x1;
	[dreg:$0x2] =	wrdreg s4  }
0xaa: {  	[dreg:$0x3] =	wrdreg s6  }
0xab: {  	[dreg:$0x4] =	wrdreg $0xC0  }
0xac: {  	_ =	task [dreg:s8], $0x5FFFF  }
0xad: {  	[dreg:$0x1] =	wrdreg $0xFFFFFFFF  }
0xae: {  	[dreg:$0x0] =	wrdreg $0x60  }
0xaf: {  	[dreg:$0x2] =	wrdreg s24  }
0xb0: {  	[dreg:$0x3] =	wrdreg s18  }
0xb1: {  	[dreg:$0x4] =	wrdreg s2  }
0xb2: {  	[dreg:$0x5] =	wrdreg $0xBE000  }
0xb3: {  	[dreg:$0x6] =	wrdreg $0x9  }
0xb4: {  	_ =	task.clear_ibuf [dreg:s8], $0x7FFFF;
	_ =	strace $0x90000046  }
0xb5: {  	s29 =	simm.s32 $0x9;
	_ =	strace $0x80000048  }
0xb6: {  	_ =	swait.ge [sflag:s29], $0x1  }
0xb7: {  	[sflag:s29] =	ssyncadd.s32 $0xFFFFFFFF  }
0xb8: {  	_ =	strace $0x90000048  }
0xb9: {  	_ =	sfence  }
0xba: {  	s30 =	sld [smem:$0x0];
	_ =	sdelay $0x2  }
0xbb: {  	s31 =	sshll.u32 s1, $0xD;
	s1 =	sshrl.u32 s1, $0x2  }
0xbc: {  	s3 =	sand.u32 $0x4000, s31;
	s1 =	sadd.s32 s1, s30  }
0xbd: {  	s0 =	sor.u32 s3, s0;
	s1 =	sshll.u32 s1, $0x11  }
0xbe: {  	s0 =	sor.u32 s1, s0  }
0xbf: {  	s0 =	sadd.s32 $0x8F2B, s0  }
0xc0: {  	[sflag:s0] =	ssyncadd.remote.s32 $0x1  }
0xc1: {  	_ =	sfence.sel $0xFFFF  }
0xc2: {  	[dreg:$0x0] =	wrdreg $0xFFFFFFFF;
	(pc) =	sbr.abs _section_cstart, $3  }
0xc3: {  	[dreg:$0x1] =	wrdreg $0xFFFFFFFF  }
0xc4: {  	_ =	task.clear_ibuf [dreg:s8], $0x2FFFF;
	_ =	strace $0x9FFFFFFF  }
0xc5: {  	(tm) =	ssettm $0x7FFFFFFF  }
tec
execute0_lowered:
.L_overlay_start_1:
0x0: {  	(tag) =	ssettag $0x1  }
0x1: {  	s8 =	rddreg [dreg:$0x0]  }
0x2: {  	s1 =	rddreg [dreg:$0x1]  }
0x3: {  	s3 =	rddreg [dreg:$0x2];
	s2 =	srdreg.scid  }
0x4: {  	s0 =	stileid.u32;
	s4 =	rddreg [dreg:$0x3]  }
0x5: {  	s5 =	simm.s32 $0x0;
	s14 =	simm.s32 $0x40;
	s15 =	simm.s32 $0x4E800  }
0x6: {  	s16 =	simm.s32 $0x9C40;
	s17 =	simm.s32 $0x9C80;
	s18 =	simm.s32 $0x9D00  }
0x7: {  	s19 =	simm.s32 $0x1;
	s20 =	simm.s32 $0xBD00;
	s21 =	simm.s32 $0x0  }
0x8: {  	s9 =	sand.u32 $0x1, s2;
	s10 =	smul.u32 $0x14000, s0;
	s2 =	rddreg [dreg:$0x4]  }
0x9: {  	[smem:$0x7FF] =	sst s5;
	s6 =	sadd.s32 $0x800, s8;
	s7 =	smul.u32 $0x140000, s9  }
0xa: {  	s31 =	sshll.u32 s0, $0x6;
	_ =	strace $0x80000047;
	s12 =	ssub.s32 $0x2, s9  }
0xb: {  	s9 =	sshll.u32 s9, $0x4;
	s29 =	sshrl.u32 s12, $0x1;
	s11 =	sadd.s32 s10, s7  }
0xc: {  	s30 =	sor.u32 s0, s9;
	s13 =	sadd.s32 s10, s4;
	s11 =	sshrl.u32 s11, $0x3  }
0xd: {  	s9 =	sor.u32 $0x1C02, s31;
	s7 =	sadd.s32 $0x1C00, s8;
	s11 =	sadd.s32 s11, s8  }
0xe: {  	s12 =	ssub.s32 s12, s29;
	s8 =	smul.u32 $0x2740, s30;
	s10 =	sadd.s32 $0x4400, s11  }
0xf: {  	s11 =	smax.u32 s12, $0x1;
	s12 =	sshrl.u32 s13, $0x3;
	s13 =	simm.s32 $0x2  }
.LBB2_1:
0x10: {  	[spmem:s12], [sflag:s9] =	dma.local [hbm:s7], $0x2800  }
0x11: {  	_ =	swait.ge [sflag:s13], $0x2800  }
0x12: {  	[sflag:s13] =	ssyncset.done $0x0  }
0x13: {  	[sflag:s13] =	ssyncadd.s32 $0xFFFFD800  }
0x14: {  	[tilespmem:s5], [sflag:$0x2] =	stream.linear.gather [hbm4b:s6+s5], $0x9C40, $0x38;
	[tilespmem:$0x1FE00] =	vst v63  }
0x15: {  	_ =	swait.ge [sflag:s13], $0x9C40  }
0x16: {  	[sflag:s13] =	ssyncset.done $0x0  }
0x17: {  	[sflag:s13] =	ssyncadd.s32 $0xFFFF63C0  }
0x18: {  	s22 =	simm.s32 $0x0;
	[bflag:$0x0] =	sbarrier.arrive $0xFFFF  }
.LBB2_2:
0x19: {  	s23 =	sshll.u32 s22, $0x6  }
0x1a: {  	s23 =	sadd.s32 s8, s23  }
0x1b: {  	s23 =	sshrl.u32 s23, $0x3  }
0x1c: {  	s23 =	sadd.s32 s1, s23  }
0x1d: {  	[tilespmem:s16], [sflag:$0x2] =	stream.strided.gather [hbm4b:s23+s14], $0xC0, s15, s14, $0x38;
	[tilespmem:$0x1FE00] =	vst v63  }
0x1e: {  	_ =	swait.ge [sflag:s13], $0xC0  }
0x1f: {  	[sflag:s13] =	ssyncset.done $0x0  }
0x20: {  	[sflag:s13] =	ssyncadd.s32 $0xFFFFFF40  }
0x21: {  	[tilespmem:s18], [sflag:$0x1] =	stream.indirect.gather [hbm4b:s3+s14], $0x80, s17, s14, $0xb8;
	[tilespmem:$0x1FE00] =	vst v63  }
0x22: {  	v0 =	vld [tilespmem:$0x9C40]  }
0x23: {  	v1 =	vld [tilespmem:$0x9C80];
	_ =	sdelay $0x5  }
0x24: {  	s24 =	simm.s32 $0x0  }
0x25: {  	v2 =	vld.idx.msk [tilespmem:v0+s24+$0x0], $0xffff  }
0x26: {  	v3 =	vld.idx.msk [tilespmem:v1+s24+$0x0], $0xffff;
	_ =	sdelay $0x4  }
0x27: {  	v2 =	vand.u32 $0xFFFF0000, v2;
	v3 =	vshll.u32 v3, $0x10  }
0x28: {  	v2 =	vadd.f32 v3, v2;
	_ =	sdelay $0x1  }
0x29: {  	v2 =	vsub.f32 $0.0e+00, v2;
	_ =	sdelay $0x1  }
0x2a: {  	v2 =	vmul.f32 $1.442695020e+00, v2;
	_ =	sdelay $0x1  }
0x2b: {  	(erf) = vpow2.f32 v2;
	_ =	sdelay $0x8  }
0x2c: {  	v2 =	vpop (erf)  }
0x2d: {  	v2 =	vadd.f32 $1.000000000e+00, v2;
	_ =	sdelay $0x1  }
0x2e: {  	(erf) = vrcp.f32 v2;
	_ =	sdelay $0x4  }
0x2f: {  	v2 =	vld [tilespmem:$0x9CC0];
	_ =	sdelay $0x2  }
0x30: {  	v3 =	vadd.s32 $0x2710, v0  }
0x31: {  	v5 =	vadd.s32 $0x2710, v1;
	v4 =	vpop (erf)  }
0x32: {  	v4 =	vmul.f32 v4, v2;
	_ =	sdelay $0x1  }
0x33: {  	[tilespmem:$0xBD00] =	vst v4  }
0x34: {  	v3 =	vld.idx.msk [tilespmem:v3+s24+$0x0], $0xffff  }
0x35: {  	v4 =	vld.idx.msk [tilespmem:v5+s24+$0x0], $0xffff;
	_ =	sdelay $0x4  }
0x36: {  	v3 =	vand.u32 $0xFFFF0000, v3;
	v4 =	vshll.u32 v4, $0x10  }
0x37: {  	v3 =	vadd.f32 v4, v3;
	_ =	sdelay $0x1  }
0x38: {  	v3 =	vsub.f32 $0.0e+00, v3;
	_ =	sdelay $0x1  }
0x39: {  	v3 =	vmul.f32 $1.442695020e+00, v3;
	_ =	sdelay $0x1  }
0x3a: {  	(erf) = vpow2.f32 v3;
	_ =	sdelay $0x8  }
0x3b: {  	v3 =	vpop (erf)  }
0x3c: {  	v3 =	vadd.f32 $1.000000000e+00, v3;
	_ =	sdelay $0x1  }
0x3d: {  	(erf) = vrcp.f32 v3;
	_ =	sdelay $0x7  }
0x3e: {  	v3 =	vadd.s32 $0x4E20, v0  }
0x3f: {  	v5 =	vadd.s32 $0x4E20, v1;
	v4 =	vpop (erf)  }
0x40: {  	v4 =	vmul.f32 v4, v2;
	_ =	sdelay $0x1  }
0x41: {  	[tilespmem:$0xBD40] =	vst v4  }
0x42: {  	v3 =	vld.idx.msk [tilespmem:v3+s24+$0x0], $0xffff  }
0x43: {  	v4 =	vld.idx.msk [tilespmem:v5+s24+$0x0], $0xffff;
	_ =	sdelay $0x4  }
0x44: {  	v3 =	vand.u32 $0xFFFF0000, v3;
	v4 =	vshll.u32 v4, $0x10  }
0x45: {  	v3 =	vadd.f32 v4, v3;
	_ =	sdelay $0x1  }
0x46: {  	v3 =	vsub.f32 $0.0e+00, v3;
	_ =	sdelay $0x1  }
0x47: {  	v3 =	vmul.f32 $1.442695020e+00, v3;
	_ =	sdelay $0x1  }
0x48: {  	(erf) = vpow2.f32 v3;
	_ =	sdelay $0x8  }
0x49: {  	v3 =	vpop (erf)  }
0x4a: {  	v3 =	vadd.f32 $1.000000000e+00, v3;
	_ =	sdelay $0x1  }
0x4b: {  	(erf) = vrcp.f32 v3;
	_ =	sdelay $0x7  }
0x4c: {  	v0 =	vadd.s32 $0x7530, v0  }
0x4d: {  	v1 =	vadd.s32 $0x7530, v1;
	v3 =	vpop (erf)  }
0x4e: {  	v3 =	vmul.f32 v3, v2;
	_ =	sdelay $0x1  }
0x4f: {  	[tilespmem:$0xBD80] =	vst v3  }
0x50: {  	v0 =	vld.idx.msk [tilespmem:v0+s24+$0x0], $0xffff  }
0x51: {  	v1 =	vld.idx.msk [tilespmem:v1+s24+$0x0], $0xffff;
	_ =	sdelay $0x4  }
0x52: {  	v0 =	vand.u32 $0xFFFF0000, v0;
	v1 =	vshll.u32 v1, $0x10  }
0x53: {  	v0 =	vadd.f32 v1, v0;
	_ =	sdelay $0x1  }
0x54: {  	v0 =	vsub.f32 $0.0e+00, v0;
	_ =	sdelay $0x1  }
0x55: {  	v0 =	vmul.f32 $1.442695020e+00, v0;
	_ =	sdelay $0x1  }
0x56: {  	(erf) = vpow2.f32 v0;
	_ =	sdelay $0x8  }
0x57: {  	v0 =	vpop (erf)  }
0x58: {  	v0 =	vadd.f32 $1.000000000e+00, v0;
	_ =	sdelay $0x1  }
0x59: {  	(erf) = vrcp.f32 v0;
	_ =	sdelay $0x4  }
0x5a: {  	v0 =	vld [tilespmem:$0x9C50]  }
0x5b: {  	v1 =	vld [tilespmem:$0x9C90];
	_ =	sdelay $0x2  }
0x5c: {  	v3 =	vpop (erf)  }
0x5d: {  	v2 =	vmul.f32 v3, v2;
	_ =	sdelay $0x1  }
0x5e: {  	[tilespmem:$0xBDC0] =	vst v2  }
0x5f: {  	v2 =	vld.idx.msk [tilespmem:v0+s24+$0x0], $0xffff  }
0x60: {  	v3 =	vld.idx.msk [tilespmem:v1+s24+$0x0], $0xffff;
	_ =	sdelay $0x4  }
0x61: {  	v2 =	vand.u32 $0xFFFF0000, v2;
	v3 =	vshll.u32 v3, $0x10  }
0x62: {  	v2 =	vadd.f32 v3, v2;
	_ =	sdelay $0x1  }
0x63: {  	v2 =	vsub.f32 $0.0e+00, v2;
	_ =	sdelay $0x1  }
0x64: {  	v2 =	vmul.f32 $1.442695020e+00, v2;
	_ =	sdelay $0x1  }
0x65: {  	(erf) = vpow2.f32 v2;
	_ =	sdelay $0x8  }
0x66: {  	v2 =	vpop (erf)  }
0x67: {  	v2 =	vadd.f32 $1.000000000e+00, v2;
	_ =	sdelay $0x1  }
0x68: {  	(erf) = vrcp.f32 v2;
	_ =	sdelay $0x4  }
0x69: {  	v2 =	vld [tilespmem:$0x9CD0];
	_ =	sdelay $0x2  }
0x6a: {  	v3 =	vadd.s32 $0x2710, v0  }
0x6b: {  	v5 =	vadd.s32 $0x2710, v1;
	v4 =	vpop (erf)  }
0x6c: {  	v4 =	vmul.f32 v4, v2;
	_ =	sdelay $0x1  }
0x6d: {  	[tilespmem:$0xBD10] =	vst v4  }
0x6e: {  	v3 =	vld.idx.msk [tilespmem:v3+s24+$0x0], $0xffff  }
0x6f: {  	v4 =	vld.idx.msk [tilespmem:v5+s24+$0x0], $0xffff;
	_ =	sdelay $0x4  }
0x70: {  	v3 =	vand.u32 $0xFFFF0000, v3;
	v4 =	vshll.u32 v4, $0x10  }
0x71: {  	v3 =	vadd.f32 v4, v3;
	_ =	sdelay $0x1  }
0x72: {  	v3 =	vsub.f32 $0.0e+00, v3;
	_ =	sdelay $0x1  }
0x73: {  	v3 =	vmul.f32 $1.442695020e+00, v3;
	_ =	sdelay $0x1  }
0x74: {  	(erf) = vpow2.f32 v3;
	_ =	sdelay $0x8  }
0x75: {  	v3 =	vpop (erf)  }
0x76: {  	v3 =	vadd.f32 $1.000000000e+00, v3;
	_ =	sdelay $0x1  }
0x77: {  	(erf) = vrcp.f32 v3;
	_ =	sdelay $0x7  }
0x78: {  	v3 =	vadd.s32 $0x4E20, v0  }
0x79: {  	v5 =	vadd.s32 $0x4E20, v1;
	v4 =	vpop (erf)  }
0x7a: {  	v4 =	vmul.f32 v4, v2;
	_ =	sdelay $0x1  }
0x7b: {  	[tilespmem:$0xBD50] =	vst v4  }
0x7c: {  	v3 =	vld.idx.msk [tilespmem:v3+s24+$0x0], $0xffff  }
0x7d: {  	v4 =	vld.idx.msk [tilespmem:v5+s24+$0x0], $0xffff;
	_ =	sdelay $0x4  }
0x7e: {  	v3 =	vand.u32 $0xFFFF0000, v3;
	v4 =	vshll.u32 v4, $0x10  }
0x7f: {  	v3 =	vadd.f32 v4, v3;
	_ =	sdelay $0x1  }
0x80: {  	v3 =	vsub.f32 $0.0e+00, v3;
	_ =	sdelay $0x1  }
0x81: {  	v3 =	vmul.f32 $1.442695020e+00, v3;
	_ =	sdelay $0x1  }
0x82: {  	(erf) = vpow2.f32 v3;
	_ =	sdelay $0x8  }
0x83: {  	v3 =	vpop (erf)  }
0x84: {  	v3 =	vadd.f32 $1.000000000e+00, v3;
	_ =	sdelay $0x1  }
0x85: {  	(erf) = vrcp.f32 v3;
	_ =	sdelay $0x7  }
0x86: {  	v0 =	vadd.s32 $0x7530, v0  }
0x87: {  	v1 =	vadd.s32 $0x7530, v1;
	v3 =	vpop (erf)  }
0x88: {  	v3 =	vmul.f32 v3, v2;
	_ =	sdelay $0x1  }
0x89: {  	[tilespmem:$0xBD90] =	vst v3  }
0x8a: {  	v0 =	vld.idx.msk [tilespmem:v0+s24+$0x0], $0xffff  }
0x8b: {  	v1 =	vld.idx.msk [tilespmem:v1+s24+$0x0], $0xffff;
	_ =	sdelay $0x4  }
0x8c: {  	v0 =	vand.u32 $0xFFFF0000, v0;
	v1 =	vshll.u32 v1, $0x10  }
0x8d: {  	v0 =	vadd.f32 v1, v0;
	_ =	sdelay $0x1  }
0x8e: {  	v0 =	vsub.f32 $0.0e+00, v0;
	_ =	sdelay $0x1  }
0x8f: {  	v0 =	vmul.f32 $1.442695020e+00, v0;
	_ =	sdelay $0x1  }
0x90: {  	(erf) = vpow2.f32 v0;
	_ =	sdelay $0x8  }
0x91: {  	v0 =	vpop (erf)  }
0x92: {  	v0 =	vadd.f32 $1.000000000e+00, v0;
	_ =	sdelay $0x1  }
0x93: {  	(erf) = vrcp.f32 v0;
	_ =	sdelay $0x4  }
0x94: {  	v0 =	vld [tilespmem:$0x9C60]  }
0x95: {  	v1 =	vld [tilespmem:$0x9CA0];
	_ =	sdelay $0x2  }
0x96: {  	v3 =	vpop (erf)  }
0x97: {  	v2 =	vmul.f32 v3, v2;
	_ =	sdelay $0x1  }
0x98: {  	[tilespmem:$0xBDD0] =	vst v2  }
0x99: {  	v2 =	vld.idx.msk [tilespmem:v0+s24+$0x0], $0xffff  }
0x9a: {  	v3 =	vld.idx.msk [tilespmem:v1+s24+$0x0], $0xffff;
	_ =	sdelay $0x4  }
0x9b: {  	v2 =	vand.u32 $0xFFFF0000, v2;
	v3 =	vshll.u32 v3, $0x10  }
0x9c: {  	v2 =	vadd.f32 v3, v2;
	_ =	sdelay $0x1  }
0x9d: {  	v2 =	vsub.f32 $0.0e+00, v2;
	_ =	sdelay $0x1  }
0x9e: {  	v2 =	vmul.f32 $1.442695020e+00, v2;
	_ =	sdelay $0x1  }
0x9f: {  	(erf) = vpow2.f32 v2;
	_ =	sdelay $0x8  }
0xa0: {  	v2 =	vpop (erf)  }
0xa1: {  	v2 =	vadd.f32 $1.000000000e+00, v2;
	_ =	sdelay $0x1  }
0xa2: {  	(erf) = vrcp.f32 v2;
	_ =	sdelay $0x4  }
0xa3: {  	v2 =	vld [tilespmem:$0x9CE0];
	_ =	sdelay $0x2  }
0xa4: {  	v3 =	vadd.s32 $0x2710, v0  }
0xa5: {  	v5 =	vadd.s32 $0x2710, v1;
	v4 =	vpop (erf)  }
0xa6: {  	v4 =	vmul.f32 v4, v2;
	_ =	sdelay $0x1  }
0xa7: {  	[tilespmem:$0xBD20] =	vst v4  }
0xa8: {  	v3 =	vld.idx.msk [tilespmem:v3+s24+$0x0], $0xffff  }
0xa9: {  	v4 =	vld.idx.msk [tilespmem:v5+s24+$0x0], $0xffff;
	_ =	sdelay $0x4  }
0xaa: {  	v3 =	vand.u32 $0xFFFF0000, v3;
	v4 =	vshll.u32 v4, $0x10  }
0xab: {  	v3 =	vadd.f32 v4, v3;
	_ =	sdelay $0x1  }
0xac: {  	v3 =	vsub.f32 $0.0e+00, v3;
	_ =	sdelay $0x1  }
0xad: {  	v3 =	vmul.f32 $1.442695020e+00, v3;
	_ =	sdelay $0x1  }
0xae: {  	(erf) = vpow2.f32 v3;
	_ =	sdelay $0x8  }
0xaf: {  	v3 =	vpop (erf)  }
0xb0: {  	v3 =	vadd.f32 $1.000000000e+00, v3;
	_ =	sdelay $0x1  }
0xb1: {  	(erf) = vrcp.f32 v3;
	_ =	sdelay $0x7  }
0xb2: {  	v3 =	vadd.s32 $0x4E20, v0  }
0xb3: {  	v5 =	vadd.s32 $0x4E20, v1;
	v4 =	vpop (erf)  }
0xb4: {  	v4 =	vmul.f32 v4, v2;
	_ =	sdelay $0x1  }
0xb5: {  	[tilespmem:$0xBD60] =	vst v4  }
0xb6: {  	v3 =	vld.idx.msk [tilespmem:v3+s24+$0x0], $0xffff  }
0xb7: {  	v4 =	vld.idx.msk [tilespmem:v5+s24+$0x0], $0xffff;
	_ =	sdelay $0x4  }
0xb8: {  	v3 =	vand.u32 $0xFFFF0000, v3;
	v4 =	vshll.u32 v4, $0x10  }
0xb9: {  	v3 =	vadd.f32 v4, v3;
	_ =	sdelay $0x1  }
0xba: {  	v3 =	vsub.f32 $0.0e+00, v3;
	_ =	sdelay $0x1  }
0xbb: {  	v3 =	vmul.f32 $1.442695020e+00, v3;
	_ =	sdelay $0x1  }
0xbc: {  	(erf) = vpow2.f32 v3;
	_ =	sdelay $0x8  }
0xbd: {  	v3 =	vpop (erf)  }
0xbe: {  	v3 =	vadd.f32 $1.000000000e+00, v3;
	_ =	sdelay $0x1  }
0xbf: {  	(erf) = vrcp.f32 v3;
	_ =	sdelay $0x7  }
0xc0: {  	v0 =	vadd.s32 $0x7530, v0  }
0xc1: {  	v1 =	vadd.s32 $0x7530, v1;
	v3 =	vpop (erf)  }
0xc2: {  	v3 =	vmul.f32 v3, v2;
	_ =	sdelay $0x1  }
0xc3: {  	[tilespmem:$0xBDA0] =	vst v3  }
0xc4: {  	v0 =	vld.idx.msk [tilespmem:v0+s24+$0x0], $0xffff  }
0xc5: {  	v1 =	vld.idx.msk [tilespmem:v1+s24+$0x0], $0xffff;
	_ =	sdelay $0x4  }
0xc6: {  	v0 =	vand.u32 $0xFFFF0000, v0;
	v1 =	vshll.u32 v1, $0x10  }
0xc7: {  	v0 =	vadd.f32 v1, v0;
	_ =	sdelay $0x1  }
0xc8: {  	v0 =	vsub.f32 $0.0e+00, v0;
	_ =	sdelay $0x1  }
0xc9: {  	v0 =	vmul.f32 $1.442695020e+00, v0;
	_ =	sdelay $0x1  }
0xca: {  	(erf) = vpow2.f32 v0;
	_ =	sdelay $0x8  }
0xcb: {  	v0 =	vpop (erf)  }
0xcc: {  	v0 =	vadd.f32 $1.000000000e+00, v0;
	_ =	sdelay $0x1  }
0xcd: {  	(erf) = vrcp.f32 v0;
	_ =	sdelay $0x4  }
0xce: {  	v0 =	vld [tilespmem:$0x9C70]  }
0xcf: {  	v1 =	vld [tilespmem:$0x9CB0];
	_ =	sdelay $0x2  }
0xd0: {  	v3 =	vpop (erf)  }
0xd1: {  	v2 =	vmul.f32 v3, v2;
	_ =	sdelay $0x1  }
0xd2: {  	[tilespmem:$0xBDE0] =	vst v2  }
0xd3: {  	v2 =	vld.idx.msk [tilespmem:v0+s24+$0x0], $0xffff  }
0xd4: {  	v3 =	vld.idx.msk [tilespmem:v1+s24+$0x0], $0xffff;
	_ =	sdelay $0x4  }
0xd5: {  	v2 =	vand.u32 $0xFFFF0000, v2;
	v3 =	vshll.u32 v3, $0x10  }
0xd6: {  	v2 =	vadd.f32 v3, v2;
	_ =	sdelay $0x1  }
0xd7: {  	v2 =	vsub.f32 $0.0e+00, v2;
	_ =	sdelay $0x1  }
0xd8: {  	v2 =	vmul.f32 $1.442695020e+00, v2;
	_ =	sdelay $0x1  }
0xd9: {  	(erf) = vpow2.f32 v2;
	_ =	sdelay $0x8  }
0xda: {  	v2 =	vpop (erf)  }
0xdb: {  	v2 =	vadd.f32 $1.000000000e+00, v2;
	_ =	sdelay $0x1  }
0xdc: {  	(erf) = vrcp.f32 v2;
	_ =	sdelay $0x4  }
0xdd: {  	v2 =	vld [tilespmem:$0x9CF0];
	_ =	sdelay $0x2  }
0xde: {  	v3 =	vadd.s32 $0x2710, v0  }
0xdf: {  	v5 =	vadd.s32 $0x2710, v1;
	v4 =	vpop (erf)  }
0xe0: {  	v4 =	vmul.f32 v4, v2;
	_ =	sdelay $0x1  }
0xe1: {  	[tilespmem:$0xBD30] =	vst v4  }
0xe2: {  	v3 =	vld.idx.msk [tilespmem:v3+s24+$0x0], $0xffff  }
0xe3: {  	v4 =	vld.idx.msk [tilespmem:v5+s24+$0x0], $0xffff;
	_ =	sdelay $0x4  }
0xe4: {  	v3 =	vand.u32 $0xFFFF0000, v3;
	v4 =	vshll.u32 v4, $0x10  }
0xe5: {  	v3 =	vadd.f32 v4, v3;
	_ =	sdelay $0x1  }
0xe6: {  	v3 =	vsub.f32 $0.0e+00, v3;
	_ =	sdelay $0x1  }
0xe7: {  	v3 =	vmul.f32 $1.442695020e+00, v3;
	_ =	sdelay $0x1  }
0xe8: {  	(erf) = vpow2.f32 v3;
	_ =	sdelay $0x8  }
0xe9: {  	v3 =	vpop (erf)  }
0xea: {  	v3 =	vadd.f32 $1.000000000e+00, v3;
	_ =	sdelay $0x1  }
0xeb: {  	(erf) = vrcp.f32 v3;
	_ =	sdelay $0x7  }
0xec: {  	v3 =	vadd.s32 $0x4E20, v0  }
0xed: {  	v5 =	vadd.s32 $0x4E20, v1;
	v4 =	vpop (erf)  }
0xee: {  	v4 =	vmul.f32 v4, v2;
	_ =	sdelay $0x1  }
0xef: {  	[tilespmem:$0xBD70] =	vst v4  }
0xf0: {  	v3 =	vld.idx.msk [tilespmem:v3+s24+$0x0], $0xffff  }
0xf1: {  	v4 =	vld.idx.msk [tilespmem:v5+s24+$0x0], $0xffff;
	_ =	sdelay $0x4  }
0xf2: {  	v3 =	vand.u32 $0xFFFF0000, v3;
	v4 =	vshll.u32 v4, $0x10  }
0xf3: {  	v3 =	vadd.f32 v4, v3;
	_ =	sdelay $0x1  }
0xf4: {  	v3 =	vsub.f32 $0.0e+00, v3;
	_ =	sdelay $0x1  }
0xf5: {  	v3 =	vmul.f32 $1.442695020e+00, v3;
	_ =	sdelay $0x1  }
0xf6: {  	(erf) = vpow2.f32 v3;
	_ =	sdelay $0x8  }
0xf7: {  	v3 =	vpop (erf)  }
0xf8: {  	v3 =	vadd.f32 $1.000000000e+00, v3;
	_ =	sdelay $0x1  }
0xf9: {  	(erf) = vrcp.f32 v3;
	_ =	sdelay $0x7  }
0xfa: {  	v0 =	vadd.s32 $0x7530, v0  }
0xfb: {  	v1 =	vadd.s32 $0x7530, v1;
	v3 =	vpop (erf)  }
0xfc: {  	v3 =	vmul.f32 v3, v2;
	_ =	sdelay $0x1  }
0xfd: {  	[tilespmem:$0xBDB0] =	vst v3  }
0xfe: {  	v0 =	vld.idx.msk [tilespmem:v0+s24+$0x0], $0xffff  }
0xff: {  	v1 =	vld.idx.msk [tilespmem:v1+s24+$0x0], $0xffff;
	_ =	sdelay $0x4  }
0x100: {  	v0 =	vand.u32 $0xFFFF0000, v0;
	v1 =	vshll.u32 v1, $0x10  }
0x101: {  	v0 =	vadd.f32 v1, v0;
	_ =	sdelay $0x1  }
0x102: {  	v0 =	vsub.f32 $0.0e+00, v0;
	_ =	sdelay $0x1  }
0x103: {  	v0 =	vmul.f32 $1.442695020e+00, v0;
	_ =	sdelay $0x1  }
0x104: {  	(erf) = vpow2.f32 v0;
	_ =	sdelay $0x8  }
0x105: {  	v0 =	vpop (erf)  }
0x106: {  	v0 =	vadd.f32 $1.000000000e+00, v0;
	_ =	sdelay $0x1  }
0x107: {  	(erf) = vrcp.f32 v0;
	_ =	sdelay $0x8  }
0x108: {  	v0 =	vpop (erf)  }
0x109: {  	v0 =	vmul.f32 v0, v2;
	_ =	sdelay $0x1  }
0x10a: {  	[tilespmem:$0xBDF0] =	vst v0  }
0x10b: {  	_ =	swait.ge [sflag:s19], $0x2000  }
0x10c: {  	[sflag:s19] =	ssyncset.done $0x0  }
0x10d: {  	s23 =	simm.s32 $0x9F00;
	[sflag:s19] =	ssyncadd.s32 $0xFFFFE000  }
0x10e: {  	v18 =	vld [tilespmem:s23+$0x190]  }
0x10f: {  	v19 =	vld [tilespmem:s23+$0x1D0]  }
0x110: {  	v20 =	vld [tilespmem:s23+$0x1B0]  }
0x111: {  	v21 =	vld [tilespmem:s23+$0x1C0]  }
0x112: {  	v22 =	vld [tilespmem:s23+$0xB0]  }
0x113: {  	v17 =	vld [tilespmem:s23+$0xF0]  }
0x114: {  	v23 =	vld [tilespmem:s23+$0x100]  }
0x115: {  	v24 =	vld [tilespmem:s23+$0x1E0]  }
0x116: {  	v25 =	vld [tilespmem:s23+$0x120]  }
0x117: {  	v26 =	vld [tilespmem:s23+$0x130]  }
0x118: {  	v0 =	vmov s24;
	v6 =	vld [tilespmem:s23+$0x1F0]  }
0x119: {  	v1 =	vor.u32 $0x40, v0;
	v27 =	vld [tilespmem:s23+$0x160]  }
0x11a: {  	v2 =	vor.u32 $0x80, v0;
	v28 =	vld [tilespmem:s23+$0x170]  }
0x11b: {  	v3 =	vor.u32 $0xC0, v0;
	v29 =	vld [tilespmem:s23+$0x180]  }
0x11c: {  	v9 =	vor.u32 $0x1, v0;
	v63 =	vld [tilespmem:s23+$0x1A0]  }
0x11d: {  	v10 =	vor.u32 $0x41, v0;
	v4 =	vld.idx.msk [tilespmem:v0+s20+$0x0], $0xffff  }
0x11e: {  	v11 =	vor.u32 $0x81, v0;
	v5 =	vld.idx.msk [tilespmem:v1+s20+$0x0], $0xffff  }
0x11f: {  	v15 =	vor.u32 $0x82, v0;
	v7 =	vld.idx.msk [tilespmem:v2+s20+$0x0], $0xffff  }
0x120: {  	v16 =	vor.u32 $0xC2, v0;
	v8 =	vld.idx.msk [tilespmem:v3+s20+$0x0], $0xffff  }
0x121: {  	v30 =	vor.u32 $0x3, v0;
	v9 =	vld.idx.msk [tilespmem:v9+s20+$0x0], $0xffff  }
0x122: {  	v31 =	vor.u32 $0x4, v0;
	v10 =	vld.idx.msk [tilespmem:v10+s20+$0x0], $0xffff  }
0x123: {  	v32 =	vor.u32 $0x44, v0;
	v11 =	vld.idx.msk [tilespmem:v11+s20+$0x0], $0xffff  }
0x124: {  	v1 =	vor.u32 $0xC1, v0;
	v15 =	vld.idx.msk [tilespmem:v15+s20+$0x0], $0xffff  }
0x125: {  	v2 =	vor.u32 $0x2, v0;
	v16 =	vld.idx.msk [tilespmem:v16+s20+$0x0], $0xffff  }
0x126: {  	v3 =	vor.u32 $0x42, v0;
	v30 =	vld.idx.msk [tilespmem:v30+s20+$0x0], $0xffff  }
0x127: {  	v33 =	vor.u32 $0x84, v0;
	v31 =	vld.idx.msk [tilespmem:v31+s20+$0x0], $0xffff  }
0x128: {  	v41 =	vor.u32 $0x46, v0;
	v32 =	vld.idx.msk [tilespmem:v32+s20+$0x0], $0xffff  }
0x129: {  	v12 =	vld.idx.msk [tilespmem:v1+s20+$0x0], $0xffff;
	v1 =	vor.u32 $0x43, v0  }
0x12a: {  	v13 =	vld.idx.msk [tilespmem:v2+s20+$0x0], $0xffff;
	v2 =	vor.u32 $0x83, v0  }
0x12b: {  	v14 =	vld.idx.msk [tilespmem:v3+s20+$0x0], $0xffff;
	v3 =	vor.u32 $0xC3, v0  }
0x12c: {  	v45 =	vor.u32 $0xC6, v0;
	v33 =	vld.idx.msk [tilespmem:v33+s20+$0x0], $0xffff  }
0x12d: {  	v43 =	vor.u32 $0x86, v0;
	v41 =	vld.idx.msk [tilespmem:v41+s20+$0x0], $0xffff  }
0x12e: {  	v34 =	vld.idx.msk [tilespmem:v1+s20+$0x0], $0xffff;
	v1 =	vor.u32 $0xC4, v0  }
0x12f: {  	v35 =	vld.idx.msk [tilespmem:v2+s20+$0x0], $0xffff;
	v2 =	vor.u32 $0x5, v0  }
0x130: {  	v37 =	vor.u32 $0x85, v0;
	v36 =	vld.idx.msk [tilespmem:v3+s20+$0x0], $0xffff;
	v3 =	vor.u32 $0x45, v0  }
0x131: {  	v38 =	vor.u32 $0xC5, v0;
	v39 =	vor.u32 $0x6, v0;
	v58 =	vor.u32 $0x7, v0;
	v61 =	vld.idx.msk [tilespmem:v45+s20+$0x0], $0xffff  }
0x132: {  	v59 =	vor.u32 $0x47, v0;
	v60 =	vor.u32 $0x87, v0;
	v46 =	vor.u32 $0xC7, v0;
	v0 =	vld.idx.msk [tilespmem:v43+s20+$0x0], $0xffff  }
0x133: {  	v40 =	vld.idx.msk [tilespmem:v1+s20+$0x0], $0xffff  }
0x134: {  	v42 =	vld.idx.msk [tilespmem:v2+s20+$0x0], $0xffff  }
0x135: {  	v44 =	vld.idx.msk [tilespmem:v3+s20+$0x0], $0xffff  }
0x136: {  	v2 =	vld.idx.msk [tilespmem:v37+s20+$0x0], $0xffff  }
0x137: {  	v1 =	vld.idx.msk [tilespmem:v38+s20+$0x0], $0xffff  }
0x138: {  	v3 =	vld.idx.msk [tilespmem:v39+s20+$0x0], $0xffff  }
0x139: {  	v37 =	vld.idx.msk [tilespmem:v58+s20+$0x0], $0xffff  }
0x13a: {  	v26 =	vmul.f32 v26, v41;
	v38 =	vld.idx.msk [tilespmem:v59+s20+$0x0], $0xffff  }
0x13b: {  	v25 =	vmul.f32 v25, v41;
	v39 =	vld.idx.msk [tilespmem:v60+s20+$0x0], $0xffff  }
0x13c: {  	v49 =	vmul.f32 v28, v61;
	v62 =	vmul.f32 v17, v1;
	v17 =	vld.idx.msk [tilespmem:v46+s20+$0x0], $0xffff;
	[tilespmem:s23+$0x130] =	vst v26  }
0x13d: {  	v48 =	vld [tilespmem:s23+$0xA0];
	v51 =	vmul.f32 v27, v61;
	[tilespmem:s23+$0x120] =	vst v25  }
0x13e: {  	v50 =	vld [tilespmem:s23+$0x90];
	[tilespmem:s23+$0x170] =	vst v49  }
0x13f: {  	v52 =	vld [tilespmem:s23+$0x80];
	v23 =	vmul.f32 v23, v3;
	[tilespmem:s23+$0x160] =	vst v51  }
0x140: {  	v53 =	vld [tilespmem:s23+$0x70];
	v18 =	vmul.f32 v18, v37;
	[tilespmem:s23+$0xF0] =	vst v62  }
0x141: {  	v55 =	vld [tilespmem:s23+$0x60];
	v54 =	vmul.f32 v29, v37;
	[tilespmem:s23+$0x100] =	vst v23  }
0x142: {  	v56 =	vld [tilespmem:s23+$0x50];
	v20 =	vmul.f32 v20, v38;
	[tilespmem:s23+$0x190] =	vst v18  }
0x143: {  	v57 =	vld [tilespmem:s23+$0x40];
	v19 =	vmul.f32 v19, v39;
	[tilespmem:s23+$0x180] =	vst v54  }
0x144: {  	v47 =	vld [tilespmem:s23+$0xFFFFFF60];
	v18 =	vmul.f32 v21, v39;
	[tilespmem:s23+$0x1B0] =	vst v20  }
0x145: {  	v45 =	vld [tilespmem:s23+$0xFFFFFF80];
	v20 =	vmul.f32 v22, v44;
	[tilespmem:s23+$0x1D0] =	vst v19  }
0x146: {  	v61 =	vld [tilespmem:s23+$0x0];
	v19 =	vmul.f32 v63, v38;
	[tilespmem:s23+$0x1C0] =	vst v18  }
0x147: {  	v41 =	vld [tilespmem:s23+$0xFFFFFFC0];
	[tilespmem:s23+$0xB0] =	vst v20;
	v20 =	vmul.f32 v48, v44  }
0x148: {  	v43 =	vld [tilespmem:s23+$0xFFFFFFA0];
	[tilespmem:s23+$0x1A0] =	vst v19;
	v19 =	vmul.f32 v52, v42  }
0x149: {  	v59 =	vld [tilespmem:s23+$0x20];
	v18 =	vmul.f32 v24, v17;
	[tilespmem:s23+$0xA0] =	vst v20  }
0x14a: {  	v58 =	vld [tilespmem:s23+$0x30];
	v20 =	vmul.f32 v53, v40;
	[tilespmem:s23+$0x80] =	vst v19  }
0x14b: {  	v60 =	vld [tilespmem:s23+$0x10];
	v19 =	vmul.f32 v56, v33;
	[tilespmem:s23+$0x1E0] =	vst v18  }
0x14c: {  	v62 =	vld [tilespmem:s23+$0xFFFFFFF0];
	v18 =	vmul.f32 v50, v42;
	[tilespmem:s23+$0x70] =	vst v20  }
0x14d: {  	v46 =	vld [tilespmem:s23+$0xFFFFFF70];
	v20 =	vmul.f32 v57, v33;
	[tilespmem:s23+$0x50] =	vst v19  }
0x14e: {  	v63 =	vld [tilespmem:s23+$0xFFFFFFE0];
	v19 =	vmul.f32 v59, v32;
	[tilespmem:s23+$0x90] =	vst v18  }
0x14f: {  	v49 =	vld [tilespmem:s23+$0xFFFFFF40];
	v18 =	vmul.f32 v55, v40;
	[tilespmem:s23+$0x40] =	vst v20  }
0x150: {  	v51 =	vld [tilespmem:s23+$0xFFFFFF20];
	v20 =	vmul.f32 v60, v31;
	[tilespmem:s23+$0x20] =	vst v19  }
0x151: {  	v42 =	vld [tilespmem:s23+$0xFFFFFFB0];
	v19 =	vmul.f32 v62, v36;
	[tilespmem:s23+$0x60] =	vst v18  }
0x152: {  	v44 =	vld [tilespmem:s23+$0xFFFFFF90];
	v18 =	vmul.f32 v58, v32;
	[tilespmem:s23+$0x10] =	vst v20  }
0x153: {  	v39 =	vld [tilespmem:s23+$0xFFFFFFD0];
	v20 =	vmul.f32 v63, v36;
	[tilespmem:s23+$0xFFFFFFF0] =	vst v19  }
0x154: {  	v54 =	vld [tilespmem:s23+$0xFFFFFEF0];
	v19 =	vmul.f32 v41, v35;
	[tilespmem:s23+$0x30] =	vst v18  }
0x155: {  	v48 =	vld [tilespmem:s23+$0xFFFFFF50];
	v18 =	vmul.f32 v61, v31;
	[tilespmem:s23+$0xFFFFFFE0] =	vst v20  }
0x156: {  	v52 =	vld [tilespmem:s23+$0xFFFFFF10];
	v20 =	vmul.f32 v42, v34;
	[tilespmem:s23+$0xFFFFFFC0] =	vst v19  }
0x157: {  	v6 =	vmul.f32 v6, v17;
	v17 =	vld [tilespmem:s23+$0xFFFFFE00];
	v19 =	vmul.f32 v44, v30;
	[tilespmem:s23+$0x0] =	vst v18  }
0x158: {  	v53 =	vld [tilespmem:s23+$0xFFFFFF00];
	v18 =	vmul.f32 v39, v35;
	[tilespmem:s23+$0xFFFFFFB0] =	vst v20  }
0x159: {  	v56 =	vld [tilespmem:s23+$0xFFFFFED0];
	v20 =	vmul.f32 v45, v30;
	[tilespmem:s23+$0xFFFFFF90] =	vst v19  }
0x15a: {  	v50 =	vld [tilespmem:s23+$0xFFFFFF30];
	[tilespmem:s23+$0xFFFFFFD0] =	vst v18;
	v18 =	vmul.f32 v43, v34  }
0x15b: {  	v57 =	vld [tilespmem:s23+$0xFFFFFEC0];
	[tilespmem:s23+$0xFFFFFF80] =	vst v20;
	v20 =	vmul.f32 v48, v15  }
0x15c: {  	v59 =	vld [tilespmem:s23+$0xFFFFFE80];
	v15 =	vmul.f32 v49, v15;
	[tilespmem:s23+$0xFFFFFFA0] =	vst v18  }
0x15d: {  	v55 =	vld [tilespmem:s23+$0xFFFFFEE0];
	v18 =	vmul.f32 v46, v16;
	[tilespmem:s23+$0xFFFFFF50] =	vst v20  }
0x15e: {  	v60 =	vld [tilespmem:s23+$0xFFFFFE60];
	v16 =	vmul.f32 v47, v16;
	[tilespmem:s23+$0xFFFFFF40] =	vst v15  }
0x15f: {  	v62 =	vld [tilespmem:s23+$0xFFFFFE20];
	v15 =	vmul.f32 v52, v13;
	[tilespmem:s23+$0xFFFFFF70] =	vst v18  }
0x160: {  	v58 =	vld [tilespmem:s23+$0xFFFFFEA0];
	v13 =	vmul.f32 v53, v13;
	[tilespmem:s23+$0xFFFFFF60] =	vst v16  }
0x161: {  	v63 =	vld [tilespmem:s23+$0xFFFFFE10];
	v16 =	vmul.f32 v50, v14;
	[tilespmem:s23+$0xFFFFFF10] =	vst v15  }
0x162: {  	v19 =	vld [tilespmem:s23+$0xFFFFFEB0];
	v14 =	vmul.f32 v51, v14;
	[tilespmem:s23+$0xFFFFFF00] =	vst v13  }
0x163: {  	v18 =	vld [tilespmem:s23+$0xFFFFFE90];
	v13 =	vmul.f32 v56, v11;
	[tilespmem:s23+$0xFFFFFF30] =	vst v16  }
0x164: {  	v61 =	vld [tilespmem:s23+$0xFFFFFE40];
	v11 =	vmul.f32 v57, v11;
	[tilespmem:s23+$0xFFFFFF20] =	vst v14  }
0x165: {  	v20 =	vld [tilespmem:s23+$0xFFFFFE70];
	v14 =	vmul.f32 v54, v12;
	v12 =	vmul.f32 v55, v12;
	[tilespmem:s23+$0xFFFFFED0] =	vst v13  }
0x166: {  	v16 =	vld [tilespmem:s23+$0xFFFFFE50];
	[tilespmem:s23+$0xFFFFFEC0] =	vst v11  }
0x167: {  	v15 =	vld [tilespmem:s23+$0xFFFFFE30];
	[tilespmem:s23+$0xFFFFFEE0] =	vst v12;
	v12 =	vmul.f32 v19, v10  }
0x168: {  	[tilespmem:s23+$0xFFFFFEF0] =	vst v14;
	v10 =	vmul.f32 v58, v10;
	v13 =	vmul.f32 v18, v9;
	v18 =	vld [tilespmem:s23+$0xD0]  }
0x169: {  	v11 =	vmul.f32 v60, v8;
	v19 =	vmul.f32 v59, v9;
	[tilespmem:s23+$0xFFFFFEB0] =	vst v12;
	v12 =	vld [tilespmem:s23+$0xC0]  }
0x16a: {  	v20 =	vmul.f32 v20, v8;
	v14 =	vld [tilespmem:s23+$0x110];
	v9 =	vmul.f32 v61, v7;
	[tilespmem:s23+$0xFFFFFEA0] =	vst v10  }
0x16b: {  	v10 =	vmul.f32 v62, v5;
	v8 =	vmul.f32 v16, v7;
	[tilespmem:s23+$0xFFFFFE90] =	vst v13;
	v13 =	vld [tilespmem:s23+$0xE0]  }
0x16c: {  	[tilespmem:s23+$0xFFFFFE80] =	vst v19;
	v7 =	vmul.f32 v15, v5;
	v5 =	vmul.f32 v63, v4;
	v16 =	vld [tilespmem:s23+$0x150]  }
0x16d: {  	s25 =	simm.s32 $0xA300;
	s24 =	simm.s32 $0x8;
	[tilespmem:s23+$0xFFFFFE70] =	vst v20;
	v4 =	vmul.f32 v17, v4;
	v15 =	vld [tilespmem:s23+$0x140];
	v19 =	vmul.f32 v18, v2  }
.LBB2_3:
0x16e: {  	v26 =	vmov s24;
	v18 =	vld [tilespmem:s25+$0x190];
	p0 =	sne.s32 s24, $0x38;
	s24 =	sadd.s32 $0x8, s24;
	[tilespmem:s23+$0xFFFFFE60] =	vst v11;
	v2 =	vmul.f32 v12, v2  }
0x16f: {  	v11 =	vor.u32 $0x40, v26;
	v17 =	vld [tilespmem:s25+$0x1D0];
	[tilespmem:s23+$0xFFFFFE50] =	vst v8;
	v3 =	vmul.f32 v14, v3  }
0x170: {  	v8 =	vor.u32 $0x80, v26;
	v20 =	vld [tilespmem:s25+$0x1B0];
	[tilespmem:s23+$0xFFFFFE40] =	vst v9;
	v1 =	vmul.f32 v13, v1  }
0x171: {  	v9 =	vor.u32 $0xC0, v26;
	v21 =	vld [tilespmem:s25+$0x1C0];
	[tilespmem:s23+$0xFFFFFE30] =	vst v7;
	v7 =	vmul.f32 v16, v0  }
0x172: {  	v12 =	vor.u32 $0x1, v26;
	v22 =	vld [tilespmem:s25+$0xB0];
	[tilespmem:s23+$0xFFFFFE20] =	vst v10;
	v0 =	vmul.f32 v15, v0  }
0x173: {  	v10 =	vor.u32 $0x41, v26;
	v27 =	vld [tilespmem:s25+$0xF0];
	[tilespmem:s23+$0xD0] =	vst v19  }
0x174: {  	v13 =	vor.u32 $0x81, v26;
	v28 =	vld [tilespmem:s25+$0x100];
	[tilespmem:s23+$0xFFFFFE10] =	vst v5  }
0x175: {  	v14 =	vor.u32 $0xC1, v26;
	v24 =	vld [tilespmem:s25+$0x1E0];
	[tilespmem:s23+$0x110] =	vst v3  }
0x176: {  	v3 =	vor.u32 $0x2, v26;
	v29 =	vld [tilespmem:s25+$0x120];
	[tilespmem:s23+$0xC0] =	vst v2  }
0x177: {  	v2 =	vor.u32 $0x42, v26;
	v30 =	vld [tilespmem:s25+$0x130];
	[tilespmem:s23+$0x1F0] =	vst v6  }
0x178: {  	v15 =	vor.u32 $0x82, v26;
	v6 =	vld [tilespmem:s25+$0x1F0];
	[tilespmem:s23+$0x150] =	vst v7  }
0x179: {  	v16 =	vor.u32 $0xC2, v26;
	v31 =	vld [tilespmem:s25+$0x160];
	[tilespmem:s23+$0xE0] =	vst v1  }
0x17a: {  	v1 =	vor.u32 $0x3, v26;
	v32 =	vld [tilespmem:s25+$0x170];
	[tilespmem:s23+$0xFFFFFE00] =	vst v4  }
0x17b: {  	v23 =	vor.u32 $0x43, v26;
	v33 =	vld [tilespmem:s25+$0x180];
	[tilespmem:s23+$0x140] =	vst v0;
	s23 =	smov.u32 s25  }
0x17c: {  	v0 =	vor.u32 $0x83, v26;
	v4 =	vld.idx.msk [tilespmem:v26+s20+$0x0], $0xffff  }
0x17d: {  	v34 =	vor.u32 $0xC3, v26;
	v5 =	vld.idx.msk [tilespmem:v11+s20+$0x0], $0xffff  }
0x17e: {  	v35 =	vor.u32 $0x4, v26;
	v7 =	vld.idx.msk [tilespmem:v8+s20+$0x0], $0xffff  }
0x17f: {  	v36 =	vor.u32 $0x44, v26;
	v8 =	vld.idx.msk [tilespmem:v9+s20+$0x0], $0xffff  }
0x180: {  	v37 =	vor.u32 $0x84, v26;
	v9 =	vld.idx.msk [tilespmem:v12+s20+$0x0], $0xffff  }
0x181: {  	v38 =	vor.u32 $0xC4, v26;
	v10 =	vld.idx.msk [tilespmem:v10+s20+$0x0], $0xffff  }
0x182: {  	v39 =	vor.u32 $0x5, v26;
	v11 =	vld.idx.msk [tilespmem:v13+s20+$0x0], $0xffff  }
0x183: {  	v40 =	vor.u32 $0x45, v26;
	v12 =	vld.idx.msk [tilespmem:v14+s20+$0x0], $0xffff  }
0x184: {  	v13 =	vld.idx.msk [tilespmem:v3+s20+$0x0], $0xffff;
	v3 =	vor.u32 $0x85, v26  }
0x185: {  	v41 =	vor.u32 $0xC5, v26;
	v14 =	vld.idx.msk [tilespmem:v2+s20+$0x0], $0xffff  }
0x186: {  	v42 =	vor.u32 $0x6, v26;
	v15 =	vld.idx.msk [tilespmem:v15+s20+$0x0], $0xffff  }
0x187: {  	v43 =	vor.u32 $0x46, v26;
	v16 =	vld.idx.msk [tilespmem:v16+s20+$0x0], $0xffff  }
0x188: {  	v44 =	vor.u32 $0x86, v26;
	v19 =	vld.idx.msk [tilespmem:v1+s20+$0x0], $0xffff  }
0x189: {  	v45 =	vor.u32 $0xC6, v26;
	v23 =	vld.idx.msk [tilespmem:v23+s20+$0x0], $0xffff  }
0x18a: {  	v46 =	vor.u32 $0x7, v26;
	v25 =	vld.idx.msk [tilespmem:v0+s20+$0x0], $0xffff  }
0x18b: {  	v47 =	vor.u32 $0x47, v26;
	v34 =	vld.idx.msk [tilespmem:v34+s20+$0x0], $0xffff  }
0x18c: {  	v48 =	vor.u32 $0x87, v26;
	v35 =	vld.idx.msk [tilespmem:v35+s20+$0x0], $0xffff  }
0x18d: {  	v26 =	vor.u32 $0xC7, v26;
	v36 =	vld.idx.msk [tilespmem:v36+s20+$0x0], $0xffff  }
0x18e: {  	v37 =	vld.idx.msk [tilespmem:v37+s20+$0x0], $0xffff  }
0x18f: {  	v38 =	vld.idx.msk [tilespmem:v38+s20+$0x0], $0xffff  }
0x190: {  	v39 =	vld.idx.msk [tilespmem:v39+s20+$0x0], $0xffff  }
0x191: {  	v40 =	vld.idx.msk [tilespmem:v40+s20+$0x0], $0xffff  }
0x192: {  	v2 =	vld.idx.msk [tilespmem:v3+s20+$0x0], $0xffff  }
0x193: {  	v1 =	vld.idx.msk [tilespmem:v41+s20+$0x0], $0xffff  }
0x194: {  	v3 =	vld.idx.msk [tilespmem:v42+s20+$0x0], $0xffff  }
0x195: {  	v41 =	vld.idx.msk [tilespmem:v43+s20+$0x0], $0xffff  }
0x196: {  	v0 =	vld.idx.msk [tilespmem:v44+s20+$0x0], $0xffff  }
0x197: {  	v42 =	vld.idx.msk [tilespmem:v45+s20+$0x0], $0xffff  }
0x198: {  	v43 =	vld.idx.msk [tilespmem:v46+s20+$0x0], $0xffff  }
0x199: {  	v27 =	vmul.f32 v27, v1;
	v44 =	vld.idx.msk [tilespmem:v47+s20+$0x0], $0xffff  }
0x19a: {  	v28 =	vmul.f32 v28, v3;
	v45 =	vld.idx.msk [tilespmem:v48+s20+$0x0], $0xffff  }
0x19b: {  	v29 =	vmul.f32 v29, v41;
	v30 =	vmul.f32 v30, v41;
	v26 =	vld.idx.msk [tilespmem:v26+s20+$0x0], $0xffff  }
0x19c: {  	[tilespmem:s25+$0xF0] =	vst v27;
	v27 =	vld [tilespmem:s25+$0x1A0]  }
0x19d: {  	v41 =	vld [tilespmem:s25+$0xA0];
	[tilespmem:s25+$0x130] =	vst v30;
	v30 =	vmul.f32 v31, v42;
	v31 =	vmul.f32 v32, v42  }
0x19e: {  	v18 =	vmul.f32 v18, v43;
	v32 =	vld [tilespmem:s25+$0x90];
	[tilespmem:s25+$0x120] =	vst v29;
	v29 =	vmul.f32 v33, v43  }
0x19f: {  	v20 =	vmul.f32 v20, v44;
	v33 =	vld [tilespmem:s25+$0x80];
	[tilespmem:s25+$0x100] =	vst v28  }
0x1a0: {  	v21 =	vmul.f32 v21, v45;
	v17 =	vmul.f32 v17, v45;
	v28 =	vld [tilespmem:s25+$0x70];
	[tilespmem:s25+$0x170] =	vst v31  }
0x1a1: {  	v22 =	vmul.f32 v22, v40;
	v24 =	vmul.f32 v24, v26;
	v31 =	vld [tilespmem:s25+$0x60];
	[tilespmem:s25+$0x160] =	vst v30  }
0x1a2: {  	v6 =	vmul.f32 v6, v26;
	v30 =	vld [tilespmem:s25+$0x50];
	v40 =	vmul.f32 v41, v40;
	[tilespmem:s25+$0x190] =	vst v18  }
0x1a3: {  	v27 =	vmul.f32 v27, v44;
	v18 =	vld [tilespmem:s25+$0x40];
	v26 =	vmul.f32 v32, v39;
	[tilespmem:s25+$0x180] =	vst v29  }
0x1a4: {  	v29 =	vld [tilespmem:s25+$0x30];
	v32 =	vmul.f32 v33, v39;
	[tilespmem:s25+$0x1B0] =	vst v20  }
0x1a5: {  	v20 =	vld [tilespmem:s25+$0x20];
	v28 =	vmul.f32 v28, v38;
	[tilespmem:s25+$0x1C0] =	vst v21  }
0x1a6: {  	v21 =	vld [tilespmem:s25+$0x10];
	v31 =	vmul.f32 v31, v38;
	[tilespmem:s25+$0x1D0] =	vst v17  }
0x1a7: {  	v17 =	vld [tilespmem:s25+$0x0];
	v30 =	vmul.f32 v30, v37;
	[tilespmem:s25+$0xB0] =	vst v22  }
0x1a8: {  	v22 =	vld [tilespmem:s25+$0xFFFFFFF0];
	v18 =	vmul.f32 v18, v37;
	[tilespmem:s25+$0x1E0] =	vst v24  }
0x1a9: {  	v24 =	vld [tilespmem:s25+$0xFFFFFFE0];
	v29 =	vmul.f32 v29, v36;
	[tilespmem:s25+$0x1A0] =	vst v27  }
0x1aa: {  	v27 =	vld [tilespmem:s25+$0xFFFFFFD0];
	v20 =	vmul.f32 v20, v36;
	[tilespmem:s25+$0xA0] =	vst v40  }
0x1ab: {  	v33 =	vld [tilespmem:s25+$0xFFFFFFC0];
	v21 =	vmul.f32 v21, v35;
	[tilespmem:s25+$0x90] =	vst v26  }
0x1ac: {  	v26 =	vld [tilespmem:s25+$0xFFFFFFB0];
	v17 =	vmul.f32 v17, v35;
	[tilespmem:s25+$0x80] =	vst v32  }
0x1ad: {  	v32 =	vld [tilespmem:s25+$0xFFFFFFA0];
	v22 =	vmul.f32 v22, v34;
	[tilespmem:s25+$0x70] =	vst v28  }
0x1ae: {  	v28 =	vld [tilespmem:s25+$0xFFFFFF90];
	v24 =	vmul.f32 v24, v34;
	[tilespmem:s25+$0x60] =	vst v31  }
0x1af: {  	v31 =	vld [tilespmem:s25+$0xFFFFFF80];
	v27 =	vmul.f32 v27, v25;
	[tilespmem:s25+$0x50] =	vst v30  }
0x1b0: {  	v30 =	vld [tilespmem:s25+$0xFFFFFF70];
	v25 =	vmul.f32 v33, v25;
	[tilespmem:s25+$0x40] =	vst v18  }
0x1b1: {  	v18 =	vld [tilespmem:s25+$0xFFFFFF60];
	v26 =	vmul.f32 v26, v23;
	[tilespmem:s25+$0x30] =	vst v29  }
0x1b2: {  	v29 =	vld [tilespmem:s25+$0xFFFFFF50];
	v23 =	vmul.f32 v32, v23;
	[tilespmem:s25+$0x20] =	vst v20  }
0x1b3: {  	v20 =	vld [tilespmem:s25+$0xFFFFFF40];
	v28 =	vmul.f32 v28, v19;
	[tilespmem:s25+$0x10] =	vst v21  }
0x1b4: {  	v21 =	vld [tilespmem:s25+$0xFFFFFF30];
	v19 =	vmul.f32 v31, v19;
	[tilespmem:s25+$0x0] =	vst v17  }
0x1b5: {  	v17 =	vld [tilespmem:s25+$0xFFFFFF20];
	v30 =	vmul.f32 v30, v16;
	[tilespmem:s25+$0xFFFFFFF0] =	vst v22  }
0x1b6: {  	v22 =	vld [tilespmem:s25+$0xFFFFFF10];
	v16 =	vmul.f32 v18, v16;
	[tilespmem:s25+$0xFFFFFFE0] =	vst v24  }
0x1b7: {  	v18 =	vld [tilespmem:s25+$0xFFFFFF00];
	v24 =	vmul.f32 v29, v15;
	[tilespmem:s25+$0xFFFFFFD0] =	vst v27  }
0x1b8: {  	v27 =	vld [tilespmem:s25+$0xFFFFFEF0];
	v15 =	vmul.f32 v20, v15;
	[tilespmem:s25+$0xFFFFFFC0] =	vst v25  }
0x1b9: {  	v20 =	vld [tilespmem:s25+$0xFFFFFEE0];
	v21 =	vmul.f32 v21, v14;
	[tilespmem:s25+$0xFFFFFFB0] =	vst v26  }
0x1ba: {  	v25 =	vld [tilespmem:s25+$0xFFFFFED0];
	v14 =	vmul.f32 v17, v14;
	[tilespmem:s25+$0xFFFFFFA0] =	vst v23  }
0x1bb: {  	v17 =	vld [tilespmem:s25+$0xFFFFFEC0];
	v22 =	vmul.f32 v22, v13;
	[tilespmem:s25+$0xFFFFFF90] =	vst v28  }
0x1bc: {  	v23 =	vld [tilespmem:s25+$0xFFFFFEB0];
	v13 =	vmul.f32 v18, v13;
	[tilespmem:s25+$0xFFFFFF80] =	vst v19  }
0x1bd: {  	v18 =	vld [tilespmem:s25+$0xFFFFFEA0];
	v19 =	vmul.f32 v27, v12;
	[tilespmem:s25+$0xFFFFFF70] =	vst v30  }
0x1be: {  	v26 =	vld [tilespmem:s25+$0xFFFFFE90];
	v12 =	vmul.f32 v20, v12;
	[tilespmem:s25+$0xFFFFFF60] =	vst v16  }
0x1bf: {  	v16 =	vld [tilespmem:s25+$0xFFFFFE80];
	v20 =	vmul.f32 v25, v11;
	[tilespmem:s25+$0xFFFFFF50] =	vst v24  }
0x1c0: {  	v24 =	vld [tilespmem:s25+$0xFFFFFE70];
	v17 =	vmul.f32 v17, v11;
	[tilespmem:s25+$0xFFFFFF40] =	vst v15  }
0x1c1: {  	v11 =	vld [tilespmem:s25+$0xFFFFFE60];
	v15 =	vmul.f32 v23, v10;
	[tilespmem:s25+$0xFFFFFF30] =	vst v21  }
0x1c2: {  	v21 =	vld [tilespmem:s25+$0xFFFFFE50];
	v18 =	vmul.f32 v18, v10;
	[tilespmem:s25+$0xFFFFFF20] =	vst v14  }
0x1c3: {  	v10 =	vld [tilespmem:s25+$0xFFFFFE40];
	v23 =	vmul.f32 v26, v9;
	[tilespmem:s25+$0xFFFFFF10] =	vst v22  }
0x1c4: {  	v14 =	vld [tilespmem:s25+$0xFFFFFE30];
	v16 =	vmul.f32 v16, v9;
	[tilespmem:s25+$0xFFFFFF00] =	vst v13  }
0x1c5: {  	v13 =	vld [tilespmem:s25+$0xFFFFFE20];
	v22 =	vmul.f32 v24, v8;
	[tilespmem:s25+$0xFFFFFEF0] =	vst v19  }
0x1c6: {  	v19 =	vld [tilespmem:s25+$0xFFFFFE10];
	v11 =	vmul.f32 v11, v8;
	[tilespmem:s25+$0xFFFFFEE0] =	vst v12  }
0x1c7: {  	v24 =	vld [tilespmem:s25+$0xFFFFFE00];
	v8 =	vmul.f32 v21, v7;
	[tilespmem:s25+$0xFFFFFED0] =	vst v20  }
0x1c8: {  	v9 =	vmul.f32 v10, v7;
	[tilespmem:s25+$0xFFFFFEC0] =	vst v17;
	v17 =	vld [tilespmem:s25+$0xD0]  }
.Ltmp0:
0x1c9: {  	v7 =	vmul.f32 v14, v5;
	[tilespmem:s25+$0xFFFFFEB0] =	vst v15;
	v12 =	vld [tilespmem:s25+$0xC0];
	(pc) =	sbr.rel @p0 .LBB2_3-.Ltmp0, $4  }
0x1ca: {  	v10 =	vmul.f32 v13, v5;
	[tilespmem:s25+$0xFFFFFEA0] =	vst v18;
	v14 =	vld [tilespmem:s25+$0x110]  }
0x1cb: {  	v5 =	vmul.f32 v19, v4;
	[tilespmem:s25+$0xFFFFFE90] =	vst v23;
	v13 =	vld [tilespmem:s25+$0xE0]  }
0x1cc: {  	v4 =	vmul.f32 v24, v4;
	[tilespmem:s25+$0xFFFFFE80] =	vst v16;
	v16 =	vld [tilespmem:s25+$0x150]  }
0x1cd: {  	s25 =	sadd.s32 $0x400, s25;
	[tilespmem:s23+$0xFFFFFE70] =	vst v22;
	v19 =	vmul.f32 v17, v2;
	v15 =	vld [tilespmem:s23+$0x140]  }
0x1ce: {  	[tilespmem:s23+$0xFFFFFE60] =	vst v11  }
0x1cf: {  	[tilespmem:s23+$0xFFFFFE50] =	vst v8  }
0x1d0: {  	[tilespmem:s23+$0xFFFFFE40] =	vst v9  }
0x1d1: {  	[tilespmem:s23+$0xFFFFFE30] =	vst v7  }
0x1d2: {  	[tilespmem:s23+$0xFFFFFE20] =	vst v10  }
0x1d3: {  	[tilespmem:s23+$0xFFFFFE10] =	vst v5  }
0x1d4: {  	[tilespmem:s23+$0x1F0] =	vst v6  }
0x1d5: {  	v2 =	vmul.f32 v12, v2;
	[tilespmem:s23+$0xFFFFFE00] =	vst v4  }
0x1d6: {  	v3 =	vmul.f32 v14, v3;
	[tilespmem:s23+$0xD0] =	vst v19  }
0x1d7: {  	[tilespmem:s23+$0xC0] =	vst v2;
	v1 =	vmul.f32 v13, v1  }
0x1d8: {  	[tilespmem:s23+$0x110] =	vst v3;
	v62 =	vmul.f32 v16, v0  }
0x1d9: {  	s22 =	sadd.s32 $0x1, s22;
	v63 =	vmul.f32 v15, v0;
	[tilespmem:s23+$0xE0] =	vst v1  }
0x1da: {  	p0 =	sne.s32 s22, $0x9D;
	[tilespmem:s23+$0x150] =	vst v62  }
.Ltmp1:
0x1db: {  	[tilespmem:s23+$0x140] =	vst v63;
	(pc) =	sbr.rel @p0 .LBB2_2-.Ltmp1, $4  }
0x1dc: {  	[spmem:s4] =	stream.indirect.scatter.add.f32 [tilespmem:s18], [sflag:$0x2], $0x80, s16, s14, $0xb8;
	[tilespmem:$0x1FE00] =	vst v63  }
0x1dd: {  	_ =	swait.ge [sflag:s13], $0x2000  }
0x1de: {  	[sflag:s13] =	ssyncset.done $0x0  }
0x1df: {  	[sflag:s13] =	ssyncadd.s32 $0xFFFFE000  }
0x1e0: {  	s21 =	sadd.s32 $0x1, s21  }
0x1e1: {  	p0 =	sne.s32 s21, s11  }
.Ltmp2:
0x1e2: {  	[bflag:$0x0] =	sbarrier.arrive $0xFFFF;
	(pc) =	sbr.rel @p0 .LBB2_1-.Ltmp2, $4  }
0x1e3: {  	[hbm:s10], [sflag:s9] =	dma.local [spmem:s12], $0x2800  }
0x1e4: {  	_ =	swait.ge [sflag:s13], $0x2800  }
0x1e5: {  	[sflag:s13] =	ssyncset.done $0x0  }
0x1e6: {  	[sflag:s13] =	ssyncadd.s32 $0xFFFFD800  }
0x1e7: {  	_ =	sfence.sel $0x180000  }
0x1e8: {  	[bflag:$0x0] =	sbarrier.arrive $0xFFFF  }
0x1e9: {  	p0 =	sne.s32 s0, $0x0;
	_ =	strace $0x90000047  }
0x1ea: {  	s0 =	sadd.s32 @!p0 $0x100000, s2;
	[bflag:$0x2] =	sbarrier.arrive $0xFFFF  }
0x1eb: {  	[sflag:s0] =	ssyncadd.tile.s32 @!p0 $0x1;
	_ =	shalt  }
.Lfunc_end2:
_tile_overlayer_lowered:
.L_overlay_start_2:
0x1ec: {  	(tag) =	ssettag $0x2  }
0x1ed: {  	s0 =	rddreg [dreg:$0x0];
	s2 =	stileid.u32  }
0x1ee: {  	s1 =	rddreg [dreg:$0x1];
	p0 =	sne.s32 s2, $0x0  }
0x1ef: {  	s3 =	rddreg [dreg:$0x2];
	[bflag:$0x3] =	sbarrier.arrive $0xFFFF;
	s2 =	simm.s32 @!p0 $0x1C02  }
0x1f0: {  	[timem:s3], [sflag:s2] =	dma.local @!p0 [hbm:s0], s1  }
0x1f1: {  	s0 =	simm.s32 @!p0 $0x2  }
0x1f2: {  	_ =	swait.ge @!p0 [sflag:s0], s1  }
0x1f3: {  	s1 =	ssub.s32 @!p0 $0x0, s1;
	[sflag:s0] =	ssyncset.done @!p0 $0x0  }
0x1f4: {  	[sflag:s0] =	ssyncadd.s32 @!p0 s1  }
0x1f5: {  	[bflag:$0x3] =	sbarrier.arrive $0xFFFF  }
0x1f6: {  	_ =	shalt  }

</sc_bundles>
